<compile_context>
chip_gen: v7x
topology: tpu7x:2x2x1
jax: 0.10.2.dev20260603
libtpu: 0.0.44.dev20260713+nightly
codegen_flags: <defaults>
</compile_context>

<pallas_src>
import functools
import math

import jax
import jax.numpy as jnp
from jax import lax
from jax.experimental import pallas as pl
from jax.experimental.pallas import tpu as pltpu
from jax.experimental.pallas import tpu_sc as plsc

_N_SUBCORES = 16
_LANES = 16


def _logits_kernel(x_ref, wg_ref, out_ref):
    out_ref[...] = lax.dot(x_ref[...], wg_ref[...],
                           preferred_element_type=jnp.float32)


def _combine_kernel(x_ref, coef_ref, wcat_ref, sel_ref, fold_ref, be_ref,
                    out_ref):
    x = x_ref[...]
    y_all = lax.dot(x, wcat_ref[...],
                    preferred_element_type=jnp.float32)
    coef_b = lax.dot(coef_ref[...], sel_ref[...],
                     preferred_element_type=jnp.float32)
    z = coef_b * (y_all + be_ref[...])
    out_ref[...] = lax.dot(z, fold_ref[...],
                           preferred_element_type=jnp.float32)


def _sc_routing_body(logits_hbm, coef_hbm, lg_v, idx_v, gate_v, coef_v,
                     row_v, allcnt_v, shared, *, tok_per_tile: int,
                     n_experts: int, capacity: int):
    core = lax.axis_index("c")
    sid = lax.axis_index("s")
    E = n_experts
    n_groups = tok_per_tile // _LANES
    span = tok_per_tile * E
    lanes = lax.iota(jnp.int32, _LANES)

    @pl.when(core == 0)
    def _():
        base_hbm = sid * span
        pltpu.sync_copy(logits_hbm.at[pl.ds(base_hbm, span)], lg_v)

        def body_a(g, cnts):
            base = g * (_LANES * E)
            ls = [plsc.load_gather(lg_v, [base + lanes * E + e])
                  for e in range(E)]
            m = ls[0]
            for e in range(1, E):
                m = jnp.maximum(m, ls[e])
            idx = jnp.full((_LANES,), E - 1, jnp.int32)
            for e in range(E - 2, -1, -1):
                idx = jnp.where(ls[e] == m, e, idx)
            s = jnp.exp(ls[0] - m)
            for e in range(1, E):
                s = s + jnp.exp(ls[e] - m)
            gate = 1.0 / s
            idx_v[pl.ds(g * _LANES, _LANES)] = idx
            gate_v[pl.ds(g * _LANES, _LANES)] = gate
            new = []
            for e in range(E):
                c = plsc.all_reduce_population_count(idx == e)
                new.append(cnts[e] + c)
            return tuple(new)

        zero = jnp.zeros((_LANES,), jnp.int32)
        cnts = lax.fori_loop(0, n_groups, body_a, (zero,) * E)

        cvec = jnp.zeros((_LANES,), jnp.int32)
        for e in range(E):
            cvec = jnp.where(lanes == e, cnts[e], cvec)
        row_v[...] = cvec
        pltpu.sync_copy(row_v, shared.at[sid])
        plsc.subcore_barrier()
        pltpu.sync_copy(shared, allcnt_v)

        sid_vec = jnp.zeros((_LANES,), jnp.int32) + sid
        offs = []
        for e in range(E):
            col = plsc.load_gather(
                allcnt_v, [lanes, jnp.zeros((_LANES,), jnp.int32) + e])
            exc = plsc.cumsum(col) - col
            row_v[...] = exc
            offs.append(plsc.load_gather(row_v, [sid_vec]))

        def body_b(g, runs):
            tbase = g * _LANES
            idx = idx_v[pl.ds(tbase, _LANES)]
            gate = gate_v[pl.ds(tbase, _LANES)]
            new = []
            for e in range(E):
                me = idx == e
                pre = plsc.cumsum(jnp.where(me, 1, 0))
                rank = runs[e] + pre - 1
                keep = me & (rank < capacity)
                vals = jnp.where(keep, gate, 0.0)
                plsc.store_scatter(coef_v, [tbase * E + lanes * E + e], vals)
                tot = plsc.all_reduce_population_count(me)
                new.append(runs[e] + tot)
            return tuple(new)

        lax.fori_loop(0, n_groups, body_b, tuple(offs))
        pltpu.sync_copy(coef_v, coef_hbm.at[pl.ds(base_hbm, span)])


def _sc_routing(logits_flat, *, T: int, n_experts: int, capacity: int):
    E = n_experts
    tok_per_tile = T // _N_SUBCORES
    span = tok_per_tile * E
    mesh = plsc.VectorSubcoreMesh(core_axis_name="c", subcore_axis_name="s")
    body = functools.partial(_sc_routing_body, tok_per_tile=tok_per_tile,
                             n_experts=E, capacity=capacity)
    return pl.kernel(
        body,
        out_type=jax.ShapeDtypeStruct((T * E,), jnp.float32),
        mesh=mesh,
        compiler_params=pltpu.CompilerParams(
            use_tc_tiling_on_sc=False, needs_layout_passes=False),
        scratch_types=[
            pltpu.VMEM((span,), jnp.float32),
            pltpu.VMEM((tok_per_tile,), jnp.int32),
            pltpu.VMEM((tok_per_tile,), jnp.float32),
            pltpu.VMEM((span,), jnp.float32),
            pltpu.VMEM((_LANES,), jnp.int32),
            pltpu.VMEM((_N_SUBCORES, _LANES), jnp.int32),
            pltpu.VMEM_SHARED((_N_SUBCORES, _LANES), jnp.int32),
        ],
    )(logits_flat)


def kernel(inputs, Wg, We, be):
    d = inputs.shape[-1]
    E = Wg.shape[1]
    x = inputs.reshape(-1, d)
    T = x.shape[0]
    capacity = int(math.ceil(T / E))

    B = 4096
    assert T % B == 0
    n_blocks = T // B

    logits = pl.pallas_call(
        _logits_kernel,
        in_specs=[
            pl.BlockSpec((T, d), lambda: (0, 0)),
            pl.BlockSpec((d, E), lambda: (0, 0)),
        ],
        out_specs=pl.BlockSpec((T, E), lambda: (0, 0)),
        out_shape=jax.ShapeDtypeStruct((T, E), jnp.float32),
    )(x, Wg)

    coef = _sc_routing(logits.reshape(-1), T=T, n_experts=E,
                       capacity=capacity).reshape(T, E)

    wcat = We.transpose(1, 0, 2).reshape(d, E * d)
    sel = jnp.repeat(jnp.eye(E, dtype=jnp.float32), d, axis=1)
    fold = jnp.tile(jnp.eye(d, dtype=jnp.float32), (E, 1))
    be_flat = be.reshape(1, E * d)

    out = pl.pallas_call(
        _combine_kernel,
        grid=(n_blocks,),
        in_specs=[
            pl.BlockSpec((B, d), lambda i: (i, 0)),
            pl.BlockSpec((B, E), lambda i: (i, 0)),
            pl.BlockSpec((d, E * d), lambda i: (0, 0)),
            pl.BlockSpec((E, E * d), lambda i: (0, 0)),
            pl.BlockSpec((E * d, d), lambda i: (0, 0)),
            pl.BlockSpec((1, E * d), lambda i: (0, 0)),
        ],
        out_specs=pl.BlockSpec((B, d), lambda i: (i, 0)),
        out_shape=jax.ShapeDtypeStruct((T, d), jnp.float32),
    )(x, coef, wcat, sel, fold, be_flat)
    return out.reshape(inputs.shape)

# --- scband reference (transcript-rebuilt; emitter-appended) ---
"""Pipeline reference for scband-moe-layer-16741782520583 (READ-ONLY COPY).

The authoritative reference and input builder live on the scoring server;
editing this copy changes nothing except your own understanding.
"""

import jax, jax.numpy as jnp
import numpy as np
import math

D_MODEL = 20
NUM_EXPERTS = 5
CAPACITY_FACTOR = 1.0

def setup_inputs(seed: int = 0) -> dict:
    key = jax.random.key(seed)
    k1, k2, k3, k4 = jax.random.split(key, 4)
    inputs = jax.random.normal(k1, (4, 8192, D_MODEL), dtype=jnp.float32)
    # gate (router) linear: hidden -> num_experts, no bias (deepspeed-style top-1 gate)
    Wg = jax.random.normal(k2, (D_MODEL, NUM_EXPERTS), dtype=jnp.float32) * (1.0 / np.sqrt(D_MODEL))
    # per-expert copies of the Linear(20, 20) expert (deepspeed deep-copies the expert per expert slot)
    We = jax.random.normal(k3, (NUM_EXPERTS, D_MODEL, D_MODEL), dtype=jnp.float32) * (1.0 / np.sqrt(D_MODEL))
    be = jax.random.normal(k4, (NUM_EXPERTS, D_MODEL), dtype=jnp.float32) * 0.01
    return {"inputs": inputs, "Wg": Wg, "We": We, "be": be}

def reference(inputs, Wg, We, be):
    d = inputs.shape[-1]
    E = Wg.shape[1]
    x = inputs.reshape(-1, d)                      # [T, d] tokens
    T = x.shape[0]
    capacity = int(math.ceil(T / E * CAPACITY_FACTOR))
    # --- top-1 gating (switch-style, as in deepspeed top1gating) ---
    logits = x @ Wg                                # [T, E]
    gates = jax.nn.softmax(logits, axis=-1)        # [T, E]
    idx = jnp.argmax(gates, axis=-1)               # [T] expert assignment
    mask1 = jax.nn.one_hot(idx, E, dtype=jnp.float32)   # [T, E]
    # position of each token within its expert's buffer
    locations1 = jnp.cumsum(mask1, axis=0) - 1.0   # [T, E]
    # drop tokens that exceed capacity
    mask1 = mask1 * (locations1 < capacity).astype(jnp.float32)
    locations1_s = jnp.sum(locations1 * mask1, axis=1).astype(jnp.int32)  # [T]
    keep = jnp.sum(mask1, axis=1)                  # [T] 1.0 if kept, 0.0 if dropped
    gates1_s = jnp.sum(gates * mask1, axis=1)      # [T] gate value of chosen expert (0 if dropped)
    # --- dispatch: scatter tokens into per-expert buffers [E, capacity, d] ---
    buf = jnp.zeros((E, capacity, d), dtype=x.dtype)
    buf = buf.at[idx, locations1_s].add(x * keep[:, None])
    # --- expert computation: per-expert Linear(d, d) ---
    expert_out = jnp.einsum("ecm,emn->ecn", buf, We) + be[:, None, :]
    # --- combine: gather each token's expert output, weight by gate prob ---
    out = expert_out[idx, locations1_s] * (gates1_s * keep)[:, None]
    return out.reshape(inputs.shape)

if __name__ == "__main__":
    import jax
    _d = setup_inputs()
    print(jax.jit(kernel)(*tuple(_d.values())))

</pallas_src>

<mosaic_0001>
#map = affine_map<(d0, d1) -> (0)>
module attributes {stable_mosaic.version = 14 : i64} {
  func.func @_sc_routing_body(%arg0: i32, %arg1: i32, %arg2: memref<163840xf32, #tpu.memory_space<hbm>>, %arg3: memref<163840xf32, #tpu.memory_space<hbm>>, %arg4: memref<10240xf32, #tpu.memory_space<vmem>>, %arg5: memref<2048xi32, #tpu.memory_space<vmem>>, %arg6: memref<2048xf32, #tpu.memory_space<vmem>>, %arg7: memref<10240xf32, #tpu.memory_space<vmem>>, %arg8: memref<16xi32, #tpu.memory_space<vmem>>, %arg9: memref<16x16xi32, #tpu.memory_space<vmem>>, %arg10: memref<16x16xi32, #tpu.memory_space<vmem_shared>>) attributes {dimension_semantics = [#tpu.dimension_semantics<core_parallel>, #tpu.dimension_semantics<subcore_parallel>], iteration_bounds = array<i64: 2, 16>, scalar_prefetch = 0 : i64, scratch_operands = 7 : i64, tpu.core_type = #tpu.core_type<sc_vector_subcore>, window_params = [{transform_indices = #map}, {transform_indices = #map}]} {
    %iota3A = tpu.iota {dimensions = array<i32: 0>} : vector<16xi32>
    %eq3A = arith.constant 0 : i32
    %eq3A_0 = arith.cmpi eq, %arg0, %eq3A : i32
    %convert_element_type3A = arith.extui %eq3A_0 : i1 to i32
    %cond3A = arith.constant 0 : i32
    %cond3A_1 = arith.cmpi ne, %convert_element_type3A, %cond3A : i32
    scf.if %cond3A_1 {
      %mul3A = arith.constant 10240 : i32
      %mul3A_2 = arith.muli %arg1, %mul3A : i32
      "tpu.region"() ({
        %run_scoped3A = tpu.sem_alloc : memref<!tpu.dma_semaphore, #tpu.memory_space<semaphore_mem>>
        %dma_start3A = tpu.memref_slice %arg2[%mul3A_2] : memref<163840xf32, #tpu.memory_space<hbm>> -> memref<10240xf32, #tpu.memory_space<hbm>>
        %dma_start3A_102 = tpu.memref_slice %arg2[%mul3A_2] : memref<163840xf32, #tpu.memory_space<hbm>> -> memref<10240xf32, #tpu.memory_space<hbm>>
        tpu.enqueue_dma source(%dma_start3A_102 : memref<10240xf32, #tpu.memory_space<hbm>>) target(%arg4 : memref<10240xf32, #tpu.memory_space<vmem>>) target_semaphore(%run_scoped3A : memref<!tpu.dma_semaphore, #tpu.memory_space<semaphore_mem>>)
        %dma_wait3A = tpu.memref_slice %arg2[%mul3A_2] : memref<163840xf32, #tpu.memory_space<hbm>> -> memref<10240xf32, #tpu.memory_space<hbm>>
        %dma_wait3A_103 = tpu.memref_slice %arg2[%mul3A_2] : memref<163840xf32, #tpu.memory_space<hbm>> -> memref<10240xf32, #tpu.memory_space<hbm>>
        tpu.wait_dma2 semaphore(%run_scoped3A : memref<!tpu.dma_semaphore, #tpu.memory_space<semaphore_mem>>) src(%dma_wait3A_103 : memref<10240xf32, #tpu.memory_space<hbm>>) dst(%arg4 : memref<10240xf32, #tpu.memory_space<vmem>>)
        tpu.yield
      }) : () -> ()
      %broadcast_in_dim3A = arith.constant 0 : i32
      %broadcast_in_dim3A_3 = vector.broadcast %broadcast_in_dim3A : i32 to vector<16xi32>
      %scan3A = arith.constant 0 : i32
      %scan3A_4 = arith.constant 128 : i32
      %scan3A_5 = arith.addi %scan3A, %scan3A_4 : i32
      %scan3A_6 = arith.constant 1 : i32
      %scan3A_7:5 = scf.for %scan3A_102 = %scan3A to %scan3A_5 step %scan3A_6 iter_args(%scan3A_103 = %broadcast_in_dim3A_3, %scan3A_104 = %broadcast_in_dim3A_3, %scan3A_105 = %broadcast_in_dim3A_3, %scan3A_106 = %broadcast_in_dim3A_3, %scan3A_107 = %broadcast_in_dim3A_3) -> (vector<16xi32>, vector<16xi32>, vector<16xi32>, vector<16xi32>, vector<16xi32>)  : i32 {
        %mul3A_108 = arith.constant 80 : i32
        %mul3A_109 = arith.muli %scan3A_102, %mul3A_108 : i32
        %mul3A_110 = arith.constant 5 : i32
        %mul3A_111 = vector.broadcast %mul3A_110 : i32 to vector<16xi32>
        %mul3A_112 = arith.muli %iota3A, %mul3A_111 : vector<16xi32>
        %add3A_113 = vector.broadcast %mul3A_109 : i32 to vector<16xi32>
        %add3A_114 = arith.addi %add3A_113, %mul3A_112 : vector<16xi32>
        %add3A_115 = arith.constant 0 : i32
        %add3A_116 = vector.broadcast %add3A_115 : i32 to vector<16xi32>
        %add3A_117 = arith.addi %add3A_114, %add3A_116 : vector<16xi32>
        %gather3A_118 = tpu.vector_load_idx %arg4[%add3A_117] : memref<10240xf32, #tpu.memory_space<vmem>>[vector<16xi32>], vector<16xf32>,
        %mul3A_119 = arith.constant 5 : i32
        %mul3A_120 = vector.broadcast %mul3A_119 : i32 to vector<16xi32>
        %mul3A_121 = arith.muli %iota3A, %mul3A_120 : vector<16xi32>
        %add3A_122 = vector.broadcast %mul3A_109 : i32 to vector<16xi32>
        %add3A_123 = arith.addi %add3A_122, %mul3A_121 : vector<16xi32>
        %add3A_124 = arith.constant 1 : i32
        %add3A_125 = vector.broadcast %add3A_124 : i32 to vector<16xi32>
        %add3A_126 = arith.addi %add3A_123, %add3A_125 : vector<16xi32>
        %gather3A_127 = tpu.vector_load_idx %arg4[%add3A_126] : memref<10240xf32, #tpu.memory_space<vmem>>[vector<16xi32>], vector<16xf32>,
        %mul3A_128 = arith.constant 5 : i32
        %mul3A_129 = vector.broadcast %mul3A_128 : i32 to vector<16xi32>
        %mul3A_130 = arith.muli %iota3A, %mul3A_129 : vector<16xi32>
        %add3A_131 = vector.broadcast %mul3A_109 : i32 to vector<16xi32>
        %add3A_132 = arith.addi %add3A_131, %mul3A_130 : vector<16xi32>
        %add3A_133 = arith.constant 2 : i32
        %add3A_134 = vector.broadcast %add3A_133 : i32 to vector<16xi32>
        %add3A_135 = arith.addi %add3A_132, %add3A_134 : vector<16xi32>
        %gather3A_136 = tpu.vector_load_idx %arg4[%add3A_135] : memref<10240xf32, #tpu.memory_space<vmem>>[vector<16xi32>], vector<16xf32>,
        %mul3A_137 = arith.constant 5 : i32
        %mul3A_138 = vector.broadcast %mul3A_137 : i32 to vector<16xi32>
        %mul3A_139 = arith.muli %iota3A, %mul3A_138 : vector<16xi32>
        %add3A_140 = vector.broadcast %mul3A_109 : i32 to vector<16xi32>
        %add3A_141 = arith.addi %add3A_140, %mul3A_139 : vector<16xi32>
        %add3A_142 = arith.constant 3 : i32
        %add3A_143 = vector.broadcast %add3A_142 : i32 to vector<16xi32>
        %add3A_144 = arith.addi %add3A_141, %add3A_143 : vector<16xi32>
        %gather3A_145 = tpu.vector_load_idx %arg4[%add3A_144] : memref<10240xf32, #tpu.memory_space<vmem>>[vector<16xi32>], vector<16xf32>,
        %mul3A_146 = arith.constant 5 : i32
        %mul3A_147 = vector.broadcast %mul3A_146 : i32 to vector<16xi32>
        %mul3A_148 = arith.muli %iota3A, %mul3A_147 : vector<16xi32>
        %add3A_149 = vector.broadcast %mul3A_109 : i32 to vector<16xi32>
        %add3A_150 = arith.addi %add3A_149, %mul3A_148 : vector<16xi32>
        %add3A_151 = arith.constant 4 : i32
        %add3A_152 = vector.broadcast %add3A_151 : i32 to vector<16xi32>
        %add3A_153 = arith.addi %add3A_150, %add3A_152 : vector<16xi32>
        %gather3A_154 = tpu.vector_load_idx %arg4[%add3A_153] : memref<10240xf32, #tpu.memory_space<vmem>>[vector<16xi32>], vector<16xf32>,
        %max3A = arith.maximumf %gather3A_118, %gather3A_127 : vector<16xf32>
        %max3A_155 = arith.maximumf %max3A, %gather3A_136 : vector<16xf32>
        %max3A_156 = arith.maximumf %max3A_155, %gather3A_145 : vector<16xf32>
        %max3A_157 = arith.maximumf %max3A_156, %gather3A_154 : vector<16xf32>
        %broadcast_in_dim3A_158 = arith.constant 4 : i32
        %broadcast_in_dim3A_159 = vector.broadcast %broadcast_in_dim3A_158 : i32 to vector<16xi32>
        %eq3A_160 = arith.cmpf oeq, %gather3A_145, %max3A_157 : vector<16xf32>
        %jit3A = arith.constant 3 : i32
        %broadcast_in_dim3A_161 = vector.broadcast %jit3A : i32 to vector<16xi32>
        %select_n3A_162 = arith.select %eq3A_160, %broadcast_in_dim3A_161, %broadcast_in_dim3A_159 : vector<16xi1>, vector<16xi32>
        %eq3A_163 = arith.cmpf oeq, %gather3A_136, %max3A_157 : vector<16xf32>
        %jit3A_164 = arith.constant 2 : i32
        %broadcast_in_dim3A_165 = vector.broadcast %jit3A_164 : i32 to vector<16xi32>
        %select_n3A_166 = arith.select %eq3A_163, %broadcast_in_dim3A_165, %select_n3A_162 : vector<16xi1>, vector<16xi32>
        %eq3A_167 = arith.cmpf oeq, %gather3A_127, %max3A_157 : vector<16xf32>
        %jit3A_168 = arith.constant 1 : i32
        %broadcast_in_dim3A_169 = vector.broadcast %jit3A_168 : i32 to vector<16xi32>
        %select_n3A_170 = arith.select %eq3A_167, %broadcast_in_dim3A_169, %select_n3A_166 : vector<16xi1>, vector<16xi32>
        %eq3A_171 = arith.cmpf oeq, %gather3A_118, %max3A_157 : vector<16xf32>
        %jit3A_172 = arith.constant 0 : i32
        %broadcast_in_dim3A_173 = vector.broadcast %jit3A_172 : i32 to vector<16xi32>
        %select_n3A_174 = arith.select %eq3A_171, %broadcast_in_dim3A_173, %select_n3A_170 : vector<16xi1>, vector<16xi32>
        %sub3A_175 = arith.subf %gather3A_118, %max3A_157 : vector<16xf32>
        %exp3A = math.exp %sub3A_175 : vector<16xf32>
        %sub3A_176 = arith.subf %gather3A_127, %max3A_157 : vector<16xf32>
        %exp3A_177 = math.exp %sub3A_176 : vector<16xf32>
        %add3A_178 = arith.addf %exp3A, %exp3A_177 : vector<16xf32>
        %sub3A_179 = arith.subf %gather3A_136, %max3A_157 : vector<16xf32>
        %exp3A_180 = math.exp %sub3A_179 : vector<16xf32>
        %add3A_181 = arith.addf %add3A_178, %exp3A_180 : vector<16xf32>
        %sub3A_182 = arith.subf %gather3A_145, %max3A_157 : vector<16xf32>
        %exp3A_183 = math.exp %sub3A_182 : vector<16xf32>
        %add3A_184 = arith.addf %add3A_181, %exp3A_183 : vector<16xf32>
        %sub3A_185 = arith.subf %gather3A_154, %max3A_157 : vector<16xf32>
        %exp3A_186 = math.exp %sub3A_185 : vector<16xf32>
        %add3A_187 = arith.addf %add3A_184, %exp3A_186 : vector<16xf32>
        %div3A = arith.constant 1.000000e+00 : f32
        %div3A_188 = vector.broadcast %div3A : f32 to vector<16xf32>
        %div3A_189 = arith.divf %div3A_188, %add3A_187 : vector<16xf32>
        %mul3A_190 = arith.constant 16 : i32
        %mul3A_191 = arith.muli %scan3A_102, %mul3A_190 : i32
        %swap3A_192 = arith.index_cast %mul3A_191 : i32 to index
        %swap3A_193 = tpu.vector_load %arg5[%swap3A_192] {strides = array<i32>} : memref<2048xi32, #tpu.memory_space<vmem>>, vector<16xi32>,
        tpu.vector_store %arg5[%swap3A_192], %select_n3A_174 {strides = array<i32>} : memref<2048xi32, #tpu.memory_space<vmem>>, vector<16xi32>,
        %mul3A_194 = arith.constant 16 : i32
        %mul3A_195 = arith.muli %scan3A_102, %mul3A_194 : i32
        %swap3A_196 = arith.index_cast %mul3A_195 : i32 to index
        %swap3A_197 = tpu.vector_load %arg6[%swap3A_196] {strides = array<i32>} : memref<2048xf32, #tpu.memory_space<vmem>>, vector<16xf32>,
        tpu.vector_store %arg6[%swap3A_196], %div3A_189 {strides = array<i32>} : memref<2048xf32, #tpu.memory_space<vmem>>, vector<16xf32>,
        %eq3A_198 = arith.constant 0 : i32
        %eq3A_199 = vector.broadcast %eq3A_198 : i32 to vector<16xi32>
        %eq3A_200 = arith.cmpi eq, %select_n3A_174, %eq3A_199 : vector<16xi32>
        %all_reduce_population_count3A = tpu.all_reduce %eq3A_200 {dim = 0 : i64, kind = #tpu.reduction_kind<sum>} : vector<16xi1> -> vector<16xi32>
        %add3A_201 = arith.addi %scan3A_103, %all_reduce_population_count3A : vector<16xi32>
        %eq3A_202 = arith.constant 1 : i32
        %eq3A_203 = vector.broadcast %eq3A_202 : i32 to vector<16xi32>
        %eq3A_204 = arith.cmpi eq, %select_n3A_174, %eq3A_203 : vector<16xi32>
        %all_reduce_population_count3A_205 = tpu.all_reduce %eq3A_204 {dim = 0 : i64, kind = #tpu.reduction_kind<sum>} : vector<16xi1> -> vector<16xi32>
        %add3A_206 = arith.addi %scan3A_104, %all_reduce_population_count3A_205 : vector<16xi32>
        %eq3A_207 = arith.constant 2 : i32
        %eq3A_208 = vector.broadcast %eq3A_207 : i32 to vector<16xi32>
        %eq3A_209 = arith.cmpi eq, %select_n3A_174, %eq3A_208 : vector<16xi32>
        %all_reduce_population_count3A_210 = tpu.all_reduce %eq3A_209 {dim = 0 : i64, kind = #tpu.reduction_kind<sum>} : vector<16xi1> -> vector<16xi32>
        %add3A_211 = arith.addi %scan3A_105, %all_reduce_population_count3A_210 : vector<16xi32>
        %eq3A_212 = arith.constant 3 : i32
        %eq3A_213 = vector.broadcast %eq3A_212 : i32 to vector<16xi32>
        %eq3A_214 = arith.cmpi eq, %select_n3A_174, %eq3A_213 : vector<16xi32>
        %all_reduce_population_count3A_215 = tpu.all_reduce %eq3A_214 {dim = 0 : i64, kind = #tpu.reduction_kind<sum>} : vector<16xi1> -> vector<16xi32>
        %add3A_216 = arith.addi %scan3A_106, %all_reduce_population_count3A_215 : vector<16xi32>
        %eq3A_217 = arith.constant 4 : i32
        %eq3A_218 = vector.broadcast %eq3A_217 : i32 to vector<16xi32>
        %eq3A_219 = arith.cmpi eq, %select_n3A_174, %eq3A_218 : vector<16xi32>
        %all_reduce_population_count3A_220 = tpu.all_reduce %eq3A_219 {dim = 0 : i64, kind = #tpu.reduction_kind<sum>} : vector<16xi1> -> vector<16xi32>
        %add3A_221 = arith.addi %scan3A_107, %all_reduce_population_count3A_220 : vector<16xi32>
        scf.yield %add3A_201, %add3A_206, %add3A_211, %add3A_216, %add3A_221 : vector<16xi32>, vector<16xi32>, vector<16xi32>, vector<16xi32>, vector<16xi32>
      }
      %scan3A_8 = arith.constant 128 : i32
      %broadcast_in_dim3A_9 = arith.constant 0 : i32
      %broadcast_in_dim3A_10 = vector.broadcast %broadcast_in_dim3A_9 : i32 to vector<16xi32>
      %eq3A_11 = arith.constant 0 : i32
      %eq3A_12 = vector.broadcast %eq3A_11 : i32 to vector<16xi32>
      %eq3A_13 = arith.cmpi eq, %iota3A, %eq3A_12 : vector<16xi32>
      %select_n3A = arith.select %eq3A_13, %scan3A_7#0, %broadcast_in_dim3A_10 : vector<16xi1>, vector<16xi32>
      %eq3A_14 = arith.constant 1 : i32
      %eq3A_15 = vector.broadcast %eq3A_14 : i32 to vector<16xi32>
      %eq3A_16 = arith.cmpi eq, %iota3A, %eq3A_15 : vector<16xi32>
      %select_n3A_17 = arith.select %eq3A_16, %scan3A_7#1, %select_n3A : vector<16xi1>, vector<16xi32>
      %eq3A_18 = arith.constant 2 : i32
      %eq3A_19 = vector.broadcast %eq3A_18 : i32 to vector<16xi32>
      %eq3A_20 = arith.cmpi eq, %iota3A, %eq3A_19 : vector<16xi32>
      %select_n3A_21 = arith.select %eq3A_20, %scan3A_7#2, %select_n3A_17 : vector<16xi1>, vector<16xi32>
      %eq3A_22 = arith.constant 3 : i32
      %eq3A_23 = vector.broadcast %eq3A_22 : i32 to vector<16xi32>
      %eq3A_24 = arith.cmpi eq, %iota3A, %eq3A_23 : vector<16xi32>
      %select_n3A_25 = arith.select %eq3A_24, %scan3A_7#3, %select_n3A_21 : vector<16xi1>, vector<16xi32>
      %eq3A_26 = arith.constant 4 : i32
      %eq3A_27 = vector.broadcast %eq3A_26 : i32 to vector<16xi32>
      %eq3A_28 = arith.cmpi eq, %iota3A, %eq3A_27 : vector<16xi32>
      %select_n3A_29 = arith.select %eq3A_28, %scan3A_7#4, %select_n3A_25 : vector<16xi1>, vector<16xi32>
      %swap3A = arith.constant 0 : index
      %swap3A_30 = tpu.vector_load %arg8[%swap3A] {strides = array<i32>} : memref<16xi32, #tpu.memory_space<vmem>>, vector<16xi32>,
      tpu.vector_store %arg8[%swap3A], %select_n3A_29 {strides = array<i32>} : memref<16xi32, #tpu.memory_space<vmem>>, vector<16xi32>,
      "tpu.region"() ({
        %run_scoped3A = tpu.sem_alloc : memref<!tpu.dma_semaphore, #tpu.memory_space<semaphore_mem>>
        %dma_start3A = arith.constant 0 : i32
        %dma_start3A_102 = tpu.memref_slice %arg10[%arg1, %dma_start3A] : memref<16x16xi32, #tpu.memory_space<vmem_shared>> -> memref<1x16xi32, #tpu.memory_space<vmem_shared>>
        %dma_start3A_103 = tpu.memref_squeeze %dma_start3A_102 : memref<1x16xi32, #tpu.memory_space<vmem_shared>> -> memref<16xi32, #tpu.memory_space<vmem_shared>>
        %dma_start3A_104 = arith.constant 0 : i32
        %dma_start3A_105 = tpu.memref_slice %arg10[%arg1, %dma_start3A_104] : memref<16x16xi32, #tpu.memory_space<vmem_shared>> -> memref<1x16xi32, #tpu.memory_space<vmem_shared>>
        %dma_start3A_106 = tpu.memref_squeeze %dma_start3A_105 : memref<1x16xi32, #tpu.memory_space<vmem_shared>> -> memref<16xi32, #tpu.memory_space<vmem_shared>>
        tpu.enqueue_dma source(%arg8 : memref<16xi32, #tpu.memory_space<vmem>>) target(%dma_start3A_106 : memref<16xi32, #tpu.memory_space<vmem_shared>>) target_semaphore(%run_scoped3A : memref<!tpu.dma_semaphore, #tpu.memory_space<semaphore_mem>>)
        %dma_wait3A = arith.constant 0 : i32
        %dma_wait3A_107 = tpu.memref_slice %arg10[%arg1, %dma_wait3A] : memref<16x16xi32, #tpu.memory_space<vmem_shared>> -> memref<1x16xi32, #tpu.memory_space<vmem_shared>>
        %dma_wait3A_108 = tpu.memref_squeeze %dma_wait3A_107 : memref<1x16xi32, #tpu.memory_space<vmem_shared>> -> memref<16xi32, #tpu.memory_space<vmem_shared>>
        %dma_wait3A_109 = arith.constant 0 : i32
        %dma_wait3A_110 = tpu.memref_slice %arg10[%arg1, %dma_wait3A_109] : memref<16x16xi32, #tpu.memory_space<vmem_shared>> -> memref<1x16xi32, #tpu.memory_space<vmem_shared>>
        %dma_wait3A_111 = tpu.memref_squeeze %dma_wait3A_110 : memref<1x16xi32, #tpu.memory_space<vmem_shared>> -> memref<16xi32, #tpu.memory_space<vmem_shared>>
        tpu.wait_dma2 semaphore(%run_scoped3A : memref<!tpu.dma_semaphore, #tpu.memory_space<semaphore_mem>>) src(%arg8 : memref<16xi32, #tpu.memory_space<vmem>>) dst(%dma_wait3A_111 : memref<16xi32, #tpu.memory_space<vmem_shared>>)
        tpu.yield
      }) : () -> ()
      %barrier3A = arith.constant 0 : index
      tpu.barrier barrier_id(%barrier3A)
      "tpu.region"() ({
        %run_scoped3A = tpu.sem_alloc : memref<!tpu.dma_semaphore, #tpu.memory_space<semaphore_mem>>
        tpu.enqueue_dma source(%arg10 : memref<16x16xi32, #tpu.memory_space<vmem_shared>>) target(%arg9 : memref<16x16xi32, #tpu.memory_space<vmem>>) target_semaphore(%run_scoped3A : memref<!tpu.dma_semaphore, #tpu.memory_space<semaphore_mem>>)
        tpu.wait_dma2 semaphore(%run_scoped3A : memref<!tpu.dma_semaphore, #tpu.memory_space<semaphore_mem>>) src(%arg10 : memref<16x16xi32, #tpu.memory_space<vmem_shared>>) dst(%arg9 : memref<16x16xi32, #tpu.memory_space<vmem>>)
        tpu.yield
      }) : () -> ()
      %broadcast_in_dim3A_31 = arith.constant 0 : i32
      %broadcast_in_dim3A_32 = vector.broadcast %broadcast_in_dim3A_31 : i32 to vector<16xi32>
      %add3A = vector.broadcast %arg1 : i32 to vector<16xi32>
      %add3A_33 = arith.addi %broadcast_in_dim3A_32, %add3A : vector<16xi32>
      %broadcast_in_dim3A_34 = arith.constant 0 : i32
      %broadcast_in_dim3A_35 = vector.broadcast %broadcast_in_dim3A_34 : i32 to vector<16xi32>
      %add3A_36 = arith.constant 0 : i32
      %add3A_37 = vector.broadcast %add3A_36 : i32 to vector<16xi32>
      %add3A_38 = arith.addi %broadcast_in_dim3A_35, %add3A_37 : vector<16xi32>
      %gather3A = tpu.vector_load_idx %arg9[%iota3A, %add3A_38] : memref<16x16xi32, #tpu.memory_space<vmem>>[vector<16xi32>, vector<16xi32>], vector<16xi32>,
      %broadcast_in_dim3A_39 = arith.constant true
      %broadcast_in_dim3A_40 = vector.broadcast %broadcast_in_dim3A_39 : i1 to vector<16xi1>
      %masked_cumsum3A = tpu.scan <sum>, %gather3A masked %broadcast_in_dim3A_40 : vector<16xi32>, vector<16xi1> -> vector<16xi32>
      %sub3A = arith.subi %masked_cumsum3A, %gather3A : vector<16xi32>
      %swap3A_41 = arith.constant 0 : index
      %swap3A_42 = tpu.vector_load %arg8[%swap3A_41] {strides = array<i32>} : memref<16xi32, #tpu.memory_space<vmem>>, vector<16xi32>,
      tpu.vector_store %arg8[%swap3A_41], %sub3A {strides = array<i32>} : memref<16xi32, #tpu.memory_space<vmem>>, vector<16xi32>,
      %gather3A_43 = tpu.vector_load_idx %arg8[%add3A_33] : memref<16xi32, #tpu.memory_space<vmem>>[vector<16xi32>], vector<16xi32>,
      %broadcast_in_dim3A_44 = arith.constant 0 : i32
      %broadcast_in_dim3A_45 = vector.broadcast %broadcast_in_dim3A_44 : i32 to vector<16xi32>
      %add3A_46 = arith.constant 1 : i32
      %add3A_47 = vector.broadcast %add3A_46 : i32 to vector<16xi32>
      %add3A_48 = arith.addi %broadcast_in_dim3A_45, %add3A_47 : vector<16xi32>
      %gather3A_49 = tpu.vector_load_idx %arg9[%iota3A, %add3A_48] : memref<16x16xi32, #tpu.memory_space<vmem>>[vector<16xi32>, vector<16xi32>], vector<16xi32>,
      %broadcast_in_dim3A_50 = arith.constant true
      %broadcast_in_dim3A_51 = vector.broadcast %broadcast_in_dim3A_50 : i1 to vector<16xi1>
      %masked_cumsum3A_52 = tpu.scan <sum>, %gather3A_49 masked %broadcast_in_dim3A_51 : vector<16xi32>, vector<16xi1> -> vector<16xi32>
      %sub3A_53 = arith.subi %masked_cumsum3A_52, %gather3A_49 : vector<16xi32>
      %swap3A_54 = arith.constant 0 : index
      %swap3A_55 = tpu.vector_load %arg8[%swap3A_54] {strides = array<i32>} : memref<16xi32, #tpu.memory_space<vmem>>, vector<16xi32>,
      tpu.vector_store %arg8[%swap3A_54], %sub3A_53 {strides = array<i32>} : memref<16xi32, #tpu.memory_space<vmem>>, vector<16xi32>,
      %gather3A_56 = tpu.vector_load_idx %arg8[%add3A_33] : memref<16xi32, #tpu.memory_space<vmem>>[vector<16xi32>], vector<16xi32>,
      %broadcast_in_dim3A_57 = arith.constant 0 : i32
      %broadcast_in_dim3A_58 = vector.broadcast %broadcast_in_dim3A_57 : i32 to vector<16xi32>
      %add3A_59 = arith.constant 2 : i32
      %add3A_60 = vector.broadcast %add3A_59 : i32 to vector<16xi32>
      %add3A_61 = arith.addi %broadcast_in_dim3A_58, %add3A_60 : vector<16xi32>
      %gather3A_62 = tpu.vector_load_idx %arg9[%iota3A, %add3A_61] : memref<16x16xi32, #tpu.memory_space<vmem>>[vector<16xi32>, vector<16xi32>], vector<16xi32>,
      %broadcast_in_dim3A_63 = arith.constant true
      %broadcast_in_dim3A_64 = vector.broadcast %broadcast_in_dim3A_63 : i1 to vector<16xi1>
      %masked_cumsum3A_65 = tpu.scan <sum>, %gather3A_62 masked %broadcast_in_dim3A_64 : vector<16xi32>, vector<16xi1> -> vector<16xi32>
      %sub3A_66 = arith.subi %masked_cumsum3A_65, %gather3A_62 : vector<16xi32>
      %swap3A_67 = arith.constant 0 : index
      %swap3A_68 = tpu.vector_load %arg8[%swap3A_67] {strides = array<i32>} : memref<16xi32, #tpu.memory_space<vmem>>, vector<16xi32>,
      tpu.vector_store %arg8[%swap3A_67], %sub3A_66 {strides = array<i32>} : memref<16xi32, #tpu.memory_space<vmem>>, vector<16xi32>,
      %gather3A_69 = tpu.vector_load_idx %arg8[%add3A_33] : memref<16xi32, #tpu.memory_space<vmem>>[vector<16xi32>], vector<16xi32>,
      %broadcast_in_dim3A_70 = arith.constant 0 : i32
      %broadcast_in_dim3A_71 = vector.broadcast %broadcast_in_dim3A_70 : i32 to vector<16xi32>
      %add3A_72 = arith.constant 3 : i32
      %add3A_73 = vector.broadcast %add3A_72 : i32 to vector<16xi32>
      %add3A_74 = arith.addi %broadcast_in_dim3A_71, %add3A_73 : vector<16xi32>
      %gather3A_75 = tpu.vector_load_idx %arg9[%iota3A, %add3A_74] : memref<16x16xi32, #tpu.memory_space<vmem>>[vector<16xi32>, vector<16xi32>], vector<16xi32>,
      %broadcast_in_dim3A_76 = arith.constant true
      %broadcast_in_dim3A_77 = vector.broadcast %broadcast_in_dim3A_76 : i1 to vector<16xi1>
      %masked_cumsum3A_78 = tpu.scan <sum>, %gather3A_75 masked %broadcast_in_dim3A_77 : vector<16xi32>, vector<16xi1> -> vector<16xi32>
      %sub3A_79 = arith.subi %masked_cumsum3A_78, %gather3A_75 : vector<16xi32>
      %swap3A_80 = arith.constant 0 : index
      %swap3A_81 = tpu.vector_load %arg8[%swap3A_80] {strides = array<i32>} : memref<16xi32, #tpu.memory_space<vmem>>, vector<16xi32>,
      tpu.vector_store %arg8[%swap3A_80], %sub3A_79 {strides = array<i32>} : memref<16xi32, #tpu.memory_space<vmem>>, vector<16xi32>,
      %gather3A_82 = tpu.vector_load_idx %arg8[%add3A_33] : memref<16xi32, #tpu.memory_space<vmem>>[vector<16xi32>], vector<16xi32>,
      %broadcast_in_dim3A_83 = arith.constant 0 : i32
      %broadcast_in_dim3A_84 = vector.broadcast %broadcast_in_dim3A_83 : i32 to vector<16xi32>
      %add3A_85 = arith.constant 4 : i32
      %add3A_86 = vector.broadcast %add3A_85 : i32 to vector<16xi32>
      %add3A_87 = arith.addi %broadcast_in_dim3A_84, %add3A_86 : vector<16xi32>
      %gather3A_88 = tpu.vector_load_idx %arg9[%iota3A, %add3A_87] : memref<16x16xi32, #tpu.memory_space<vmem>>[vector<16xi32>, vector<16xi32>], vector<16xi32>,
      %broadcast_in_dim3A_89 = arith.constant true
      %broadcast_in_dim3A_90 = vector.broadcast %broadcast_in_dim3A_89 : i1 to vector<16xi1>
      %masked_cumsum3A_91 = tpu.scan <sum>, %gather3A_88 masked %broadcast_in_dim3A_90 : vector<16xi32>, vector<16xi1> -> vector<16xi32>
      %sub3A_92 = arith.subi %masked_cumsum3A_91, %gather3A_88 : vector<16xi32>
      %swap3A_93 = arith.constant 0 : index
      %swap3A_94 = tpu.vector_load %arg8[%swap3A_93] {strides = array<i32>} : memref<16xi32, #tpu.memory_space<vmem>>, vector<16xi32>,
      tpu.vector_store %arg8[%swap3A_93], %sub3A_92 {strides = array<i32>} : memref<16xi32, #tpu.memory_space<vmem>>, vector<16xi32>,
      %gather3A_95 = tpu.vector_load_idx %arg8[%add3A_33] : memref<16xi32, #tpu.memory_space<vmem>>[vector<16xi32>], vector<16xi32>,
      %scan3A_96 = arith.constant 0 : i32
      %scan3A_97 = arith.constant 128 : i32
      %scan3A_98 = arith.addi %scan3A_96, %scan3A_97 : i32
      %scan3A_99 = arith.constant 1 : i32
      %scan3A_100:5 = scf.for %scan3A_102 = %scan3A_96 to %scan3A_98 step %scan3A_99 iter_args(%scan3A_103 = %gather3A_43, %scan3A_104 = %gather3A_56, %scan3A_105 = %gather3A_69, %scan3A_106 = %gather3A_82, %scan3A_107 = %gather3A_95) -> (vector<16xi32>, vector<16xi32>, vector<16xi32>, vector<16xi32>, vector<16xi32>)  : i32 {
        %mul3A_108 = arith.constant 16 : i32
        %mul3A_109 = arith.muli %scan3A_102, %mul3A_108 : i32
        %get3A = arith.index_cast %mul3A_109 : i32 to index
        %get3A_110 = tpu.vector_load %arg5[%get3A] {strides = array<i32>} : memref<2048xi32, #tpu.memory_space<vmem>>, vector<16xi32>,
        %get3A_111 = arith.index_cast %mul3A_109 : i32 to index
        %get3A_112 = tpu.vector_load %arg6[%get3A_111] {strides = array<i32>} : memref<2048xf32, #tpu.memory_space<vmem>>, vector<16xf32>,
        %eq3A_113 = arith.constant 0 : i32
        %eq3A_114 = vector.broadcast %eq3A_113 : i32 to vector<16xi32>
        %eq3A_115 = arith.cmpi eq, %get3A_110, %eq3A_114 : vector<16xi32>
        %jit3A = arith.constant 1 : i32
        %jit3A_116 = arith.constant 0 : i32
        %broadcast_in_dim3A_117 = vector.broadcast %jit3A : i32 to vector<16xi32>
        %broadcast_in_dim3A_118 = vector.broadcast %jit3A_116 : i32 to vector<16xi32>
        %select_n3A_119 = arith.select %eq3A_115, %broadcast_in_dim3A_117, %broadcast_in_dim3A_118 : vector<16xi1>, vector<16xi32>
        %broadcast_in_dim3A_120 = arith.constant true
        %broadcast_in_dim3A_121 = vector.broadcast %broadcast_in_dim3A_120 : i1 to vector<16xi1>
        %masked_cumsum3A_122 = tpu.scan <sum>, %select_n3A_119 masked %broadcast_in_dim3A_121 : vector<16xi32>, vector<16xi1> -> vector<16xi32>
        %add3A_123 = arith.addi %scan3A_103, %masked_cumsum3A_122 : vector<16xi32>
        %sub3A_124 = arith.constant 1 : i32
        %sub3A_125 = vector.broadcast %sub3A_124 : i32 to vector<16xi32>
        %sub3A_126 = arith.subi %add3A_123, %sub3A_125 : vector<16xi32>
        %lt3A = arith.constant 6554 : i32
        %lt3A_127 = vector.broadcast %lt3A : i32 to vector<16xi32>
        %lt3A_128 = arith.cmpi slt, %sub3A_126, %lt3A_127 : vector<16xi32>
        %and3A = arith.andi %eq3A_115, %lt3A_128 : vector<16xi1>
        %jit3A_129 = arith.constant 0.000000e+00 : f32
        %broadcast_in_dim3A_130 = vector.broadcast %jit3A_129 : f32 to vector<16xf32>
        %select_n3A_131 = arith.select %and3A, %get3A_112, %broadcast_in_dim3A_130 : vector<16xi1>, vector<16xf32>
        %mul3A_132 = arith.constant 5 : i32
        %mul3A_133 = arith.muli %mul3A_109, %mul3A_132 : i32
        %mul3A_134 = arith.constant 5 : i32
        %mul3A_135 = vector.broadcast %mul3A_134 : i32 to vector<16xi32>
        %mul3A_136 = arith.muli %iota3A, %mul3A_135 : vector<16xi32>
        %add3A_137 = vector.broadcast %mul3A_133 : i32 to vector<16xi32>
        %add3A_138 = arith.addi %add3A_137, %mul3A_136 : vector<16xi32>
        %add3A_139 = arith.constant 0 : i32
        %add3A_140 = vector.broadcast %add3A_139 : i32 to vector<16xi32>
        %add3A_141 = arith.addi %add3A_138, %add3A_140 : vector<16xi32>
        tpu.vector_store_idx %arg7[%add3A_141], %select_n3A_131 : memref<10240xf32, #tpu.memory_space<vmem>>[vector<16xi32>], vector<16xf32>,
        %all_reduce_population_count3A = tpu.all_reduce %eq3A_115 {dim = 0 : i64, kind = #tpu.reduction_kind<sum>} : vector<16xi1> -> vector<16xi32>
        %add3A_142 = arith.addi %scan3A_103, %all_reduce_population_count3A : vector<16xi32>
        %eq3A_143 = arith.constant 1 : i32
        %eq3A_144 = vector.broadcast %eq3A_143 : i32 to vector<16xi32>
        %eq3A_145 = arith.cmpi eq, %get3A_110, %eq3A_144 : vector<16xi32>
        %jit3A_146 = arith.constant 1 : i32
        %jit3A_147 = arith.constant 0 : i32
        %broadcast_in_dim3A_148 = vector.broadcast %jit3A_146 : i32 to vector<16xi32>
        %broadcast_in_dim3A_149 = vector.broadcast %jit3A_147 : i32 to vector<16xi32>
        %select_n3A_150 = arith.select %eq3A_145, %broadcast_in_dim3A_148, %broadcast_in_dim3A_149 : vector<16xi1>, vector<16xi32>
        %broadcast_in_dim3A_151 = arith.constant true
        %broadcast_in_dim3A_152 = vector.broadcast %broadcast_in_dim3A_151 : i1 to vector<16xi1>
        %masked_cumsum3A_153 = tpu.scan <sum>, %select_n3A_150 masked %broadcast_in_dim3A_152 : vector<16xi32>, vector<16xi1> -> vector<16xi32>
        %add3A_154 = arith.addi %scan3A_104, %masked_cumsum3A_153 : vector<16xi32>
        %sub3A_155 = arith.constant 1 : i32
        %sub3A_156 = vector.broadcast %sub3A_155 : i32 to vector<16xi32>
        %sub3A_157 = arith.subi %add3A_154, %sub3A_156 : vector<16xi32>
        %lt3A_158 = arith.constant 6554 : i32
        %lt3A_159 = vector.broadcast %lt3A_158 : i32 to vector<16xi32>
        %lt3A_160 = arith.cmpi slt, %sub3A_157, %lt3A_159 : vector<16xi32>
        %and3A_161 = arith.andi %eq3A_145, %lt3A_160 : vector<16xi1>
        %jit3A_162 = arith.constant 0.000000e+00 : f32
        %broadcast_in_dim3A_163 = vector.broadcast %jit3A_162 : f32 to vector<16xf32>
        %select_n3A_164 = arith.select %and3A_161, %get3A_112, %broadcast_in_dim3A_163 : vector<16xi1>, vector<16xf32>
        %mul3A_165 = arith.constant 5 : i32
        %mul3A_166 = arith.muli %mul3A_109, %mul3A_165 : i32
        %mul3A_167 = arith.constant 5 : i32
        %mul3A_168 = vector.broadcast %mul3A_167 : i32 to vector<16xi32>
        %mul3A_169 = arith.muli %iota3A, %mul3A_168 : vector<16xi32>
        %add3A_170 = vector.broadcast %mul3A_166 : i32 to vector<16xi32>
        %add3A_171 = arith.addi %add3A_170, %mul3A_169 : vector<16xi32>
        %add3A_172 = arith.constant 1 : i32
        %add3A_173 = vector.broadcast %add3A_172 : i32 to vector<16xi32>
        %add3A_174 = arith.addi %add3A_171, %add3A_173 : vector<16xi32>
        tpu.vector_store_idx %arg7[%add3A_174], %select_n3A_164 : memref<10240xf32, #tpu.memory_space<vmem>>[vector<16xi32>], vector<16xf32>,
        %all_reduce_population_count3A_175 = tpu.all_reduce %eq3A_145 {dim = 0 : i64, kind = #tpu.reduction_kind<sum>} : vector<16xi1> -> vector<16xi32>
        %add3A_176 = arith.addi %scan3A_104, %all_reduce_population_count3A_175 : vector<16xi32>
        %eq3A_177 = arith.constant 2 : i32
        %eq3A_178 = vector.broadcast %eq3A_177 : i32 to vector<16xi32>
        %eq3A_179 = arith.cmpi eq, %get3A_110, %eq3A_178 : vector<16xi32>
        %jit3A_180 = arith.constant 1 : i32
        %jit3A_181 = arith.constant 0 : i32
        %broadcast_in_dim3A_182 = vector.broadcast %jit3A_180 : i32 to vector<16xi32>
        %broadcast_in_dim3A_183 = vector.broadcast %jit3A_181 : i32 to vector<16xi32>
        %select_n3A_184 = arith.select %eq3A_179, %broadcast_in_dim3A_182, %broadcast_in_dim3A_183 : vector<16xi1>, vector<16xi32>
        %broadcast_in_dim3A_185 = arith.constant true
        %broadcast_in_dim3A_186 = vector.broadcast %broadcast_in_dim3A_185 : i1 to vector<16xi1>
        %masked_cumsum3A_187 = tpu.scan <sum>, %select_n3A_184 masked %broadcast_in_dim3A_186 : vector<16xi32>, vector<16xi1> -> vector<16xi32>
        %add3A_188 = arith.addi %scan3A_105, %masked_cumsum3A_187 : vector<16xi32>
        %sub3A_189 = arith.constant 1 : i32
        %sub3A_190 = vector.broadcast %sub3A_189 : i32 to vector<16xi32>
        %sub3A_191 = arith.subi %add3A_188, %sub3A_190 : vector<16xi32>
        %lt3A_192 = arith.constant 6554 : i32
        %lt3A_193 = vector.broadcast %lt3A_192 : i32 to vector<16xi32>
        %lt3A_194 = arith.cmpi slt, %sub3A_191, %lt3A_193 : vector<16xi32>
        %and3A_195 = arith.andi %eq3A_179, %lt3A_194 : vector<16xi1>
        %jit3A_196 = arith.constant 0.000000e+00 : f32
        %broadcast_in_dim3A_197 = vector.broadcast %jit3A_196 : f32 to vector<16xf32>
        %select_n3A_198 = arith.select %and3A_195, %get3A_112, %broadcast_in_dim3A_197 : vector<16xi1>, vector<16xf32>
        %mul3A_199 = arith.constant 5 : i32
        %mul3A_200 = arith.muli %mul3A_109, %mul3A_199 : i32
        %mul3A_201 = arith.constant 5 : i32
        %mul3A_202 = vector.broadcast %mul3A_201 : i32 to vector<16xi32>
        %mul3A_203 = arith.muli %iota3A, %mul3A_202 : vector<16xi32>
        %add3A_204 = vector.broadcast %mul3A_200 : i32 to vector<16xi32>
        %add3A_205 = arith.addi %add3A_204, %mul3A_203 : vector<16xi32>
        %add3A_206 = arith.constant 2 : i32
        %add3A_207 = vector.broadcast %add3A_206 : i32 to vector<16xi32>
        %add3A_208 = arith.addi %add3A_205, %add3A_207 : vector<16xi32>
        tpu.vector_store_idx %arg7[%add3A_208], %select_n3A_198 : memref<10240xf32, #tpu.memory_space<vmem>>[vector<16xi32>], vector<16xf32>,
        %all_reduce_population_count3A_209 = tpu.all_reduce %eq3A_179 {dim = 0 : i64, kind = #tpu.reduction_kind<sum>} : vector<16xi1> -> vector<16xi32>
        %add3A_210 = arith.addi %scan3A_105, %all_reduce_population_count3A_209 : vector<16xi32>
        %eq3A_211 = arith.constant 3 : i32
        %eq3A_212 = vector.broadcast %eq3A_211 : i32 to vector<16xi32>
        %eq3A_213 = arith.cmpi eq, %get3A_110, %eq3A_212 : vector<16xi32>
        %jit3A_214 = arith.constant 1 : i32
        %jit3A_215 = arith.constant 0 : i32
        %broadcast_in_dim3A_216 = vector.broadcast %jit3A_214 : i32 to vector<16xi32>
        %broadcast_in_dim3A_217 = vector.broadcast %jit3A_215 : i32 to vector<16xi32>
        %select_n3A_218 = arith.select %eq3A_213, %broadcast_in_dim3A_216, %broadcast_in_dim3A_217 : vector<16xi1>, vector<16xi32>
        %broadcast_in_dim3A_219 = arith.constant true
        %broadcast_in_dim3A_220 = vector.broadcast %broadcast_in_dim3A_219 : i1 to vector<16xi1>
        %masked_cumsum3A_221 = tpu.scan <sum>, %select_n3A_218 masked %broadcast_in_dim3A_220 : vector<16xi32>, vector<16xi1> -> vector<16xi32>
        %add3A_222 = arith.addi %scan3A_106, %masked_cumsum3A_221 : vector<16xi32>
        %sub3A_223 = arith.constant 1 : i32
        %sub3A_224 = vector.broadcast %sub3A_223 : i32 to vector<16xi32>
        %sub3A_225 = arith.subi %add3A_222, %sub3A_224 : vector<16xi32>
        %lt3A_226 = arith.constant 6554 : i32
        %lt3A_227 = vector.broadcast %lt3A_226 : i32 to vector<16xi32>
        %lt3A_228 = arith.cmpi slt, %sub3A_225, %lt3A_227 : vector<16xi32>
        %and3A_229 = arith.andi %eq3A_213, %lt3A_228 : vector<16xi1>
        %jit3A_230 = arith.constant 0.000000e+00 : f32
        %broadcast_in_dim3A_231 = vector.broadcast %jit3A_230 : f32 to vector<16xf32>
        %select_n3A_232 = arith.select %and3A_229, %get3A_112, %broadcast_in_dim3A_231 : vector<16xi1>, vector<16xf32>
        %mul3A_233 = arith.constant 5 : i32
        %mul3A_234 = arith.muli %mul3A_109, %mul3A_233 : i32
        %mul3A_235 = arith.constant 5 : i32
        %mul3A_236 = vector.broadcast %mul3A_235 : i32 to vector<16xi32>
        %mul3A_237 = arith.muli %iota3A, %mul3A_236 : vector<16xi32>
        %add3A_238 = vector.broadcast %mul3A_234 : i32 to vector<16xi32>
        %add3A_239 = arith.addi %add3A_238, %mul3A_237 : vector<16xi32>
        %add3A_240 = arith.constant 3 : i32
        %add3A_241 = vector.broadcast %add3A_240 : i32 to vector<16xi32>
        %add3A_242 = arith.addi %add3A_239, %add3A_241 : vector<16xi32>
        tpu.vector_store_idx %arg7[%add3A_242], %select_n3A_232 : memref<10240xf32, #tpu.memory_space<vmem>>[vector<16xi32>], vector<16xf32>,
        %all_reduce_population_count3A_243 = tpu.all_reduce %eq3A_213 {dim = 0 : i64, kind = #tpu.reduction_kind<sum>} : vector<16xi1> -> vector<16xi32>
        %add3A_244 = arith.addi %scan3A_106, %all_reduce_population_count3A_243 : vector<16xi32>
        %eq3A_245 = arith.constant 4 : i32
        %eq3A_246 = vector.broadcast %eq3A_245 : i32 to vector<16xi32>
        %eq3A_247 = arith.cmpi eq, %get3A_110, %eq3A_246 : vector<16xi32>
        %jit3A_248 = arith.constant 1 : i32
        %jit3A_249 = arith.constant 0 : i32
        %broadcast_in_dim3A_250 = vector.broadcast %jit3A_248 : i32 to vector<16xi32>
        %broadcast_in_dim3A_251 = vector.broadcast %jit3A_249 : i32 to vector<16xi32>
        %select_n3A_252 = arith.select %eq3A_247, %broadcast_in_dim3A_250, %broadcast_in_dim3A_251 : vector<16xi1>, vector<16xi32>
        %broadcast_in_dim3A_253 = arith.constant true
        %broadcast_in_dim3A_254 = vector.broadcast %broadcast_in_dim3A_253 : i1 to vector<16xi1>
        %masked_cumsum3A_255 = tpu.scan <sum>, %select_n3A_252 masked %broadcast_in_dim3A_254 : vector<16xi32>, vector<16xi1> -> vector<16xi32>
        %add3A_256 = arith.addi %scan3A_107, %masked_cumsum3A_255 : vector<16xi32>
        %sub3A_257 = arith.constant 1 : i32
        %sub3A_258 = vector.broadcast %sub3A_257 : i32 to vector<16xi32>
        %sub3A_259 = arith.subi %add3A_256, %sub3A_258 : vector<16xi32>
        %lt3A_260 = arith.constant 6554 : i32
        %lt3A_261 = vector.broadcast %lt3A_260 : i32 to vector<16xi32>
        %lt3A_262 = arith.cmpi slt, %sub3A_259, %lt3A_261 : vector<16xi32>
        %and3A_263 = arith.andi %eq3A_247, %lt3A_262 : vector<16xi1>
        %jit3A_264 = arith.constant 0.000000e+00 : f32
        %broadcast_in_dim3A_265 = vector.broadcast %jit3A_264 : f32 to vector<16xf32>
        %select_n3A_266 = arith.select %and3A_263, %get3A_112, %broadcast_in_dim3A_265 : vector<16xi1>, vector<16xf32>
        %mul3A_267 = arith.constant 5 : i32
        %mul3A_268 = arith.muli %mul3A_109, %mul3A_267 : i32
        %mul3A_269 = arith.constant 5 : i32
        %mul3A_270 = vector.broadcast %mul3A_269 : i32 to vector<16xi32>
        %mul3A_271 = arith.muli %iota3A, %mul3A_270 : vector<16xi32>
        %add3A_272 = vector.broadcast %mul3A_268 : i32 to vector<16xi32>
        %add3A_273 = arith.addi %add3A_272, %mul3A_271 : vector<16xi32>
        %add3A_274 = arith.constant 4 : i32
        %add3A_275 = vector.broadcast %add3A_274 : i32 to vector<16xi32>
        %add3A_276 = arith.addi %add3A_273, %add3A_275 : vector<16xi32>
        tpu.vector_store_idx %arg7[%add3A_276], %select_n3A_266 : memref<10240xf32, #tpu.memory_space<vmem>>[vector<16xi32>], vector<16xf32>,
        %all_reduce_population_count3A_277 = tpu.all_reduce %eq3A_247 {dim = 0 : i64, kind = #tpu.reduction_kind<sum>} : vector<16xi1> -> vector<16xi32>
        %add3A_278 = arith.addi %scan3A_107, %all_reduce_population_count3A_277 : vector<16xi32>
        scf.yield %add3A_142, %add3A_176, %add3A_210, %add3A_244, %add3A_278 : vector<16xi32>, vector<16xi32>, vector<16xi32>, vector<16xi32>, vector<16xi32>
      }
      %scan3A_101 = arith.constant 128 : i32
      "tpu.region"() ({
        %run_scoped3A = tpu.sem_alloc : memref<!tpu.dma_semaphore, #tpu.memory_space<semaphore_mem>>
        %dma_start3A = tpu.memref_slice %arg3[%mul3A_2] : memref<163840xf32, #tpu.memory_space<hbm>> -> memref<10240xf32, #tpu.memory_space<hbm>>
        %dma_start3A_102 = tpu.memref_slice %arg3[%mul3A_2] : memref<163840xf32, #tpu.memory_space<hbm>> -> memref<10240xf32, #tpu.memory_space<hbm>>
        tpu.enqueue_dma source(%arg7 : memref<10240xf32, #tpu.memory_space<vmem>>) target(%dma_start3A_102 : memref<10240xf32, #tpu.memory_space<hbm>>) target_semaphore(%run_scoped3A : memref<!tpu.dma_semaphore, #tpu.memory_space<semaphore_mem>>)
        %dma_wait3A = tpu.memref_slice %arg3[%mul3A_2] : memref<163840xf32, #tpu.memory_space<hbm>> -> memref<10240xf32, #tpu.memory_space<hbm>>
        %dma_wait3A_103 = tpu.memref_slice %arg3[%mul3A_2] : memref<163840xf32, #tpu.memory_space<hbm>> -> memref<10240xf32, #tpu.memory_space<hbm>>
        tpu.wait_dma2 semaphore(%run_scoped3A : memref<!tpu.dma_semaphore, #tpu.memory_space<semaphore_mem>>) src(%arg7 : memref<10240xf32, #tpu.memory_space<vmem>>) dst(%dma_wait3A_103 : memref<10240xf32, #tpu.memory_space<hbm>>)
        tpu.yield
      }) : () -> ()
    } else {
    }
    return
  }
}

module attributes {stable_mosaic.version = 14 : i64} {
  func.func @_logits_kernel(%arg0: memref<32768x20xf32, #tpu.memory_space<vmem>>, %arg1: memref<20x5xf32, #tpu.memory_space<vmem>>, %arg2: memref<32768x5xf32, #tpu.memory_space<vmem>>) attributes {dimension_semantics = [], scalar_prefetch = 0 : i64, scratch_operands = 0 : i64, tpu.core_type = #tpu.core_type<tc>} {
    %get3A = arith.constant 0 : index
    %get3A_0 = arith.constant 0 : index
    %get3A_1 = vector.load %arg0[%get3A, %get3A_0] : memref<32768x20xf32, #tpu.memory_space<vmem>>, vector<32768x20xf32>
    %get3A_2 = arith.constant 0 : index
    %get3A_3 = arith.constant 0 : index
    %get3A_4 = vector.load %arg1[%get3A_2, %get3A_3] : memref<20x5xf32, #tpu.memory_space<vmem>>, vector<20x5xf32>
    %dot_general3A = arith.constant dense<0.000000e+00> : vector<32768x5xf32>
    %dot_general3A_5 = tpu.matmul %get3A_1, %get3A_4, %dot_general3A {dimension_numbers = #tpu.dot_dimension_numbers<[1], [0], [0], [1], [0, 0, 1, 1], [], []>, transpose_lhs_hint = false} : vector<32768x20xf32>, vector<20x5xf32>, vector<32768x5xf32> -> vector<32768x5xf32>
    %swap3A = arith.constant 0 : index
    %swap3A_6 = arith.constant 0 : index
    %swap3A_7 = vector.load %arg2[%swap3A, %swap3A_6] : memref<32768x5xf32, #tpu.memory_space<vmem>>, vector<32768x5xf32>
    tpu.vector_store %arg2[%swap3A, %swap3A_6], %dot_general3A_5 {strides = array<i32>} : memref<32768x5xf32, #tpu.memory_space<vmem>>, vector<32768x5xf32>,
    return
  }
}

module attributes {stable_mosaic.version = 14 : i64} {
  func.func @_combine_kernel(%arg0: i32, %arg1: memref<4096x20xf32, #tpu.memory_space<vmem>>, %arg2: memref<4096x5xf32, #tpu.memory_space<vmem>>, %arg3: memref<20x100xf32, #tpu.memory_space<vmem>>, %arg4: memref<5x100xf32, #tpu.memory_space<vmem>>, %arg5: memref<100x20xf32, #tpu.memory_space<vmem>>, %arg6: memref<1x100xf32, #tpu.memory_space<vmem>>, %arg7: memref<4096x20xf32, #tpu.memory_space<vmem>>) attributes {dimension_semantics = [#tpu.dimension_semantics<arbitrary>], iteration_bounds = array<i64: 8>, scalar_prefetch = 0 : i64, scratch_operands = 0 : i64, tpu.core_type = #tpu.core_type<tc>, window_params = [{transform_indices = @transform_0, window_bounds = array<i64: 4096, 20>}, {transform_indices = @transform_1, window_bounds = array<i64: 4096, 5>}, {pipeline_mode = #tpu.pipeline_mode<synchronous>, transform_indices = @transform_2, window_bounds = array<i64: 20, 100>}, {pipeline_mode = #tpu.pipeline_mode<synchronous>, transform_indices = @transform_3, window_bounds = array<i64: 5, 100>}, {pipeline_mode = #tpu.pipeline_mode<synchronous>, transform_indices = @transform_4, window_bounds = array<i64: 100, 20>}, {pipeline_mode = #tpu.pipeline_mode<synchronous>, transform_indices = @transform_5, window_bounds = array<i64: 1, 100>}, {transform_indices = @transform_6, window_bounds = array<i64: 4096, 20>}]} {
    %get3A = arith.constant 0 : index
    %get3A_0 = arith.constant 0 : index
    %get3A_1 = vector.load %arg1[%get3A, %get3A_0] : memref<4096x20xf32, #tpu.memory_space<vmem>>, vector<4096x20xf32>
    %get3A_2 = arith.constant 0 : index
    %get3A_3 = arith.constant 0 : index
    %get3A_4 = vector.load %arg3[%get3A_2, %get3A_3] : memref<20x100xf32, #tpu.memory_space<vmem>>, vector<20x100xf32>
    %dot_general3A = arith.constant dense<0.000000e+00> : vector<4096x100xf32>
    %dot_general3A_5 = tpu.matmul %get3A_1, %get3A_4, %dot_general3A {dimension_numbers = #tpu.dot_dimension_numbers<[1], [0], [0], [1], [0, 0, 1, 1], [], []>, transpose_lhs_hint = false} : vector<4096x20xf32>, vector<20x100xf32>, vector<4096x100xf32> -> vector<4096x100xf32>
    %get3A_6 = arith.constant 0 : index
    %get3A_7 = arith.constant 0 : index
    %get3A_8 = vector.load %arg2[%get3A_6, %get3A_7] : memref<4096x5xf32, #tpu.memory_space<vmem>>, vector<4096x5xf32>
    %get3A_9 = arith.constant 0 : index
    %get3A_10 = arith.constant 0 : index
    %get3A_11 = vector.load %arg4[%get3A_9, %get3A_10] : memref<5x100xf32, #tpu.memory_space<vmem>>, vector<5x100xf32>
    %dot_general3A_12 = arith.constant dense<0.000000e+00> : vector<4096x100xf32>
    %dot_general3A_13 = tpu.matmul %get3A_8, %get3A_11, %dot_general3A_12 {dimension_numbers = #tpu.dot_dimension_numbers<[1], [0], [0], [1], [0, 0, 1, 1], [], []>, transpose_lhs_hint = false} : vector<4096x5xf32>, vector<5x100xf32>, vector<4096x100xf32> -> vector<4096x100xf32>
    %get3A_14 = arith.constant 0 : index
    %get3A_15 = arith.constant 0 : index
    %get3A_16 = vector.load %arg6[%get3A_14, %get3A_15] : memref<1x100xf32, #tpu.memory_space<vmem>>, vector<1x100xf32>
    %add3A = vector.broadcast %get3A_16 : vector<1x100xf32> to vector<4096x100xf32>
    %add3A_17 = arith.addf %dot_general3A_5, %add3A : vector<4096x100xf32>
    %mul3A = arith.mulf %dot_general3A_13, %add3A_17 : vector<4096x100xf32>
    %get3A_18 = arith.constant 0 : index
    %get3A_19 = arith.constant 0 : index
    %get3A_20 = vector.load %arg5[%get3A_18, %get3A_19] : memref<100x20xf32, #tpu.memory_space<vmem>>, vector<100x20xf32>
    %dot_general3A_21 = arith.constant dense<0.000000e+00> : vector<4096x20xf32>
    %dot_general3A_22 = tpu.matmul %mul3A, %get3A_20, %dot_general3A_21 {dimension_numbers = #tpu.dot_dimension_numbers<[1], [0], [0], [1], [0, 0, 1, 1], [], []>, transpose_lhs_hint = false} : vector<4096x100xf32>, vector<100x20xf32>, vector<4096x20xf32> -> vector<4096x20xf32>
    %swap3A = arith.constant 0 : index
    %swap3A_23 = arith.constant 0 : index
    %swap3A_24 = vector.load %arg7[%swap3A, %swap3A_23] : memref<4096x20xf32, #tpu.memory_space<vmem>>, vector<4096x20xf32>
    tpu.vector_store %arg7[%swap3A, %swap3A_23], %dot_general3A_22 {strides = array<i32>} : memref<4096x20xf32, #tpu.memory_space<vmem>>, vector<4096x20xf32>,
    return
  }
  func.func @transform_0(%arg0: i32) -> (i32, i32) {
    %c0_i32 = arith.constant 0 : i32
    %c0_i32_0 = arith.constant 0 : i32
    return %arg0, %c0_i32 : i32, i32
  }
  func.func @transform_1(%arg0: i32) -> (i32, i32) {
    %c0_i32 = arith.constant 0 : i32
    %c0_i32_0 = arith.constant 0 : i32
    return %arg0, %c0_i32 : i32, i32
  }
  func.func @transform_2(%arg0: i32) -> (i32, i32) {
    %c0_i32 = arith.constant 0 : i32
    %c0_i32_0 = arith.constant 0 : i32
    %c0_i32_1 = arith.constant 0 : i32
    return %c0_i32, %c0_i32_0 : i32, i32
  }
  func.func @transform_3(%arg0: i32) -> (i32, i32) {
    %c0_i32 = arith.constant 0 : i32
    %c0_i32_0 = arith.constant 0 : i32
    %c0_i32_1 = arith.constant 0 : i32
    return %c0_i32, %c0_i32_0 : i32, i32
  }
  func.func @transform_4(%arg0: i32) -> (i32, i32) {
    %c0_i32 = arith.constant 0 : i32
    %c0_i32_0 = arith.constant 0 : i32
    %c0_i32_1 = arith.constant 0 : i32
    return %c0_i32, %c0_i32_0 : i32, i32
  }
  func.func @transform_5(%arg0: i32) -> (i32, i32) {
    %c0_i32 = arith.constant 0 : i32
    %c0_i32_0 = arith.constant 0 : i32
    %c0_i32_1 = arith.constant 0 : i32
    return %c0_i32, %c0_i32_0 : i32, i32
  }
  func.func @transform_6(%arg0: i32) -> (i32, i32) {
    %c0_i32 = arith.constant 0 : i32
    %c0_i32_0 = arith.constant 0 : i32
    return %arg0, %c0_i32 : i32, i32
  }
}

</mosaic_0001>

<sc_bundles>
// kernel: kernel.5.cloned.1.call-start
scs
__scs_entry_jumppad:
0x0: {  	(pc) =	sbr.rel $0x88, $3  }
0x1: {  	(tag) =	ssettag $0x0;
	lr =	simm.s32 $0x1  }
0x2: {  	[smem:$0x3F9D] =	sst lr;
	_ =	strace $0xD0000000  }
0x3: {  	_ = 	snop  }
0x4: {  	_ = 	snop  }
0x5: {  	_ = 	snop  }
0x6: {  	_ = 	snop  }
0x7: {  	_ = 	snop  }
__scs_overlays_trampoline_lowered:
0x8: {  	[smem:$0x3FAC] =	sst s0  }
0x9: {  	[smem:$0x3FAD] =	sst s1  }
0xa: {  	[smem:$0x3FAE] =	sst s2  }
0xb: {  	[smem:$0x3FAF] =	sst s3  }
0xc: {  	[smem:$0x3FB0] =	sst s4  }
0xd: {  	[smem:$0x3FB1] =	sst s5  }
0xe: {  	[smem:$0x3FB2] =	sst s6  }
0xf: {  	[smem:$0x3FB3] =	sst s7  }
0x10: {  	[smem:$0x3FB4] =	sst s8  }
0x11: {  	[smem:$0x3FB5] =	sst s9;
	s0 =	simm.s32 @!p0 $0x0  }
0x12: {  	s1 =	sld [smem:$0x3F9B];
	s0 =	simm.s32 @p0 $0x1  }
0x13: {  	[smem:$0x3FB6] =	sst s0;
	s0 =	simm.s32 @!p1 $0x0  }
0x14: {  	s2 =	sld [smem:$0x3F9A];
	s0 =	simm.s32 @p1 $0x1  }
0x15: {  	[smem:$0x3FB7] =	sst s0;
	s0 =	simm.s32 @!p2 $0x0  }
0x16: {  	s3 =	sld [smem:$0x3FDB];
	s0 =	simm.s32 @p2 $0x1  }
0x17: {  	s4 =	simm.s32 $0x1BF5;
	[smem:$0x3FB9] =	sst s0  }
0x18: {  	s0 =	sld [smem:$0x3F9C];
	_ =	swait.ge [sflag:s4], $0x0  }
0x19: {  	s7 =	sld [smem:$0x3F9D]  }
0x1a: {  	s8 =	sadd.s32 $0xFFFFE003, lr  }
0x1b: {  	s9 =	sadd.s32 $0xFFFFFEF7, lr;
	s5 =	simm.s32 $0xFFFFFFFF;
	p2 =	slt.u32 s8, $0xFFFFF086  }
0x1c: {  	p1 =	slt.u32 s9, $0xF7A;
	s5 =	simm.s32 @!p2 $0x0  }
0x1d: {  	s5 =	simm.s32 @p1 $0x1;
	p0 =	seq.s32 s7, s2  }
0x1e: {  	s7 =	smul.u32 @!p0 $0xF7A, s2;
	p2 =	seq.s32 @!p0 s5, $0x0  }
0x1f: {  	s9 =	smul.u32 $0xF7A, s1;
	s8 =	simm.s32 @!p0 $0x1BF5;
	p2 =	por !p2, p0  }
0x20: {  	[sflag:s8] =	ssyncset.s32 @!p0 $0xFFFFF086;
	s6 =	sadd.s32 @!p0 s3, s7;
	s7 =	simm.s32 @!p0 $0x108  }
0x21: {  	s3 =	sadd.s32 s3, s9;
	s6 =	sadd.s32 @!p0 $0x88, s6;
	s7 =	simm.s32 @p2 $0x1082  }
0x22: {  	[simem:s7], [sflag:s8] =	dma.local @!p0 [hbm:s6], $0xF7A  }
0x23: {  	s9 =	sor.u32 $0xD0000000, s2;
	s6 =	simm.s32 $0x108;
	_ =	swait.ge @!p0 [sflag:s8], $0x0  }
0x24: {  	s3 =	sadd.s32 $0x88, s3;
	s6 =	simm.s32 @!p1 $0x1082;
	[sflag:s4] =	ssyncset.s32 $0xFFFFF086  }
0x25: {  	[simem:s6], [sflag:s4] =	dma.local [hbm:s3], $0xF7A  }
0x26: {  	[smem:$0x3F9D] =	sst s1;
	(tag) =	ssettag s2;
	_ =	strace s9  }
0x27: {  	s1 =	sld [smem:$0x3FAD]  }
0x28: {  	s2 =	sld [smem:$0x3FAE]  }
0x29: {  	s4 =	sld [smem:$0x3FB0]  }
0x2a: {  	p0 =	seq.s32 s5, $0x0;
	s5 =	sld [smem:$0x3FB1]  }
0x2b: {  	s6 =	sld [smem:$0x3FB2]  }
0x2c: {  	s7 =	sld [smem:$0x3FB3]  }
0x2d: {  	s3 =	simm.s32 $0x108;
	s8 =	sld [smem:$0x3FB4]  }
0x2e: {  	s3 =	simm.s32 @!p0 $0x1082;
	s9 =	sld [smem:$0x3FB5]  }
0x2f: {  	lr =	sadd.s32 s0, s3;
	s0 =	sld [smem:$0x3FAC]  }
0x30: {  	s3 =	sld [smem:$0x3FAF]  }
0x31: {  	[smem:$0x3FB8] =	sst s10  }
0x32: {  	s10 =	sld [smem:$0x3FB6];
	_ =	sdelay $0x3  }
0x33: {  	p0 =	seq.s32 s10, $0x1;
	s10 =	sld [smem:$0x3FB8];
	_ =	sdelay $0x3  }
0x34: {  	[smem:$0x3FB8] =	sst s10  }
0x35: {  	s10 =	sld [smem:$0x3FB7];
	_ =	sdelay $0x3  }
0x36: {  	p1 =	seq.s32 s10, $0x1;
	s10 =	sld [smem:$0x3FB8];
	_ =	sdelay $0x3  }
0x37: {  	[smem:$0x3FB8] =	sst s10  }
0x38: {  	s10 =	sld [smem:$0x3FB9]  }
0x39: {  	_ = 	snop;
	(pc) =	sbr.ind lr, $3  }
0x3a: {  	_ = 	snop  }
0x3b: {  	_ = 	snop  }
0x3c: {  	p2 =	seq.s32 s10, $0x1;
	s10 =	sld [smem:$0x3FB8]  }
0x3d: {  	_ =	shalt  }
0x3e: {  	_ =	shalt  }
0x3f: {  	_ =	shalt  }
0x40: {  	_ =	shalt  }
0x41: {  	_ =	shalt  }
0x42: {  	_ =	shalt  }
0x43: {  	_ =	shalt  }
0x44: {  	_ =	shalt  }
0x45: {  	_ =	shalt  }
0x46: {  	_ =	shalt  }
0x47: {  	_ =	shalt  }
0x48: {  	_ =	shalt  }
0x49: {  	_ =	shalt  }
0x4a: {  	_ =	shalt  }
0x4b: {  	_ =	shalt  }
0x4c: {  	_ =	shalt  }
0x4d: {  	_ =	shalt  }
0x4e: {  	_ =	shalt  }
0x4f: {  	_ =	shalt  }
0x50: {  	_ =	shalt  }
0x51: {  	_ =	shalt  }
0x52: {  	_ =	shalt  }
0x53: {  	_ =	shalt  }
0x54: {  	_ =	shalt  }
0x55: {  	_ =	shalt  }
0x56: {  	_ =	shalt  }
0x57: {  	_ =	shalt  }
0x58: {  	_ =	shalt  }
0x59: {  	_ =	shalt  }
0x5a: {  	_ =	shalt  }
0x5b: {  	_ =	shalt  }
0x5c: {  	_ =	shalt  }
0x5d: {  	_ =	shalt  }
0x5e: {  	_ =	shalt  }
0x5f: {  	_ =	shalt  }
0x60: {  	_ =	shalt  }
0x61: {  	_ =	shalt  }
0x62: {  	_ =	shalt  }
0x63: {  	_ =	shalt  }
0x64: {  	_ =	shalt  }
0x65: {  	_ =	shalt  }
0x66: {  	_ =	shalt  }
0x67: {  	_ =	shalt  }
0x68: {  	_ =	shalt  }
0x69: {  	_ =	shalt  }
0x6a: {  	_ =	shalt  }
0x6b: {  	_ =	shalt  }
0x6c: {  	_ =	shalt  }
0x6d: {  	_ =	shalt  }
0x6e: {  	_ =	shalt  }
0x6f: {  	_ =	shalt  }
0x70: {  	_ =	shalt  }
0x71: {  	_ =	shalt  }
0x72: {  	_ =	shalt  }
0x73: {  	_ =	shalt  }
0x74: {  	_ =	shalt  }
0x75: {  	_ =	shalt  }
0x76: {  	_ =	shalt  }
0x77: {  	_ =	shalt  }
0x78: {  	_ =	shalt  }
0x79: {  	_ =	shalt  }
0x7a: {  	_ =	shalt  }
0x7b: {  	_ =	shalt  }
0x7c: {  	_ =	shalt  }
0x7d: {  	_ =	shalt  }
0x7e: {  	_ =	shalt  }
0x7f: {  	_ =	shalt  }
0x80: {  	_ =	shalt  }
0x81: {  	_ =	shalt  }
0x82: {  	_ =	shalt  }
0x83: {  	_ =	shalt  }
0x84: {  	_ =	shalt  }
0x85: {  	_ =	shalt  }
0x86: {  	_ =	shalt  }
0x87: {  	_ =	shalt  }
.Lfunc_end0:
.L_simem_size_0:
called_computation_lowered:
.L_overlay_start_0:
0x88: {  	s2 =	sld [smem:$0x3FD9]  }
0x89: {  	s3 =	sld [smem:$0x3FFE];
	_ =	sdelay $0x1  }
0x8a: {  	s1 =	srdreg.scid  }
0x8b: {  	s0 =	sand.u32 $0x1, s1  }
0x8c: {  	s17 =	sshll.u32 s0, $0xA;
	s2 =	sadd.s32 s3, s2  }
0x8d: {  	s2 =	sadd.s32 s2, s17  }
0x8e: {  	[smem:$0x3FC4] =	sst s2  }
0x8f: {  	_ = 	snop  }
0x90: {  	s2 =	sld [smem:$0x3FD0];
	(tm) =	ssettm $0x1  }
0x91: {  	s18 =	sld [smem:$0x3FFB];
	_ =	sdelay $0x3  }
0x92: {  	_ =	strace s18  }
0x93: {  	s3 =	sld [smem:$0x3FFC];
	_ =	sdelay $0x3  }
0x94: {  	_ =	strace s3  }
0x95: {  	s3 =	sld [smem:$0x3FFD];
	_ =	sdelay $0x3  }
0x96: {  	_ =	strace s3  }
0x97: {  	_ =	strace $0x8FFFFFFF  }
0x98: {  	s19 =	sld [smem:$0x3FDB];
	_ =	sdelay $0x1  }
0x99: {  	s4 =	simm.s32 $_scs_section_size  }
0x9a: {  	s5 =	simm.s32 $_size__tile_overlayer_lowered;
	s6 =	simm.s32 $_tile_overlayer_lowered  }
0x9b: {  	s22 =	simm.s32 $0x1BFF;
	s21 =	sshll.u32 s6, $0x1;
	s3 =	sadd.s32 s4, s19  }
0x9c: {  	s7 =	simm.s32 $0x0;
	s20 =	sshll.u32 s5, $0x1;
	s5 =	sadd.s32 s21, s3  }
0x9d: {  	[timem:s7], [sflag:s22] =	dma.local [hbm:s5], s20  }
0x9e: {  	_ =	swait.ge [sflag:s22], s20  }
0x9f: {  	s4 =	ssub.s32 $0x0, s20;
	[sflag:s22] =	ssyncset.done $0x0  }
0xa0: {  	[sflag:s22] =	ssyncadd.s32 s4;
	_ =	sdelay $0x1  }
0xa1: {  	s23 =	simm.s32 $0x1B8B  }
0xa2: {  	_ =	swait.ge [sflag:s23], $0x1  }
0xa3: {  	[sflag:s23] =	ssyncset.done $0x0  }
0xa4: {  	s25 =	simm.s32 $0x1B8E;
	s24 =	sld [smem:$0x3FFE];
	[sflag:s23] =	ssyncadd.s32 $0xFFFFFFFF  }
0xa5: {  	s26 =	simm.s32 $execute0_lowered;
	[smem:$0x3FD2] =	sst s25  }
0xa6: {  	s5 =	sshll.u32 s26, $0x1;
	_ =	strace $0x80000046;
	[dreg:$0x1] =	wrdreg $0xFFFFFFFF  }
0xa7: {  	s28 =	simm.s32 $_size_execute0_lowered;
	s3 =	sadd.s32 s3, s5;
	[dreg:$0x0] =	wrdreg $0x0  }
0xa8: {  	s5 =	sshll.u32 s28, $0x1;
	[dreg:$0x2] =	wrdreg s3  }
0xa9: {  	[dreg:$0x3] =	wrdreg s5  }
0xaa: {  	[dreg:$0x4] =	wrdreg $0xC0  }
0xab: {  	_ =	task [dreg:s7], $0x5FFFF  }
0xac: {  	[dreg:$0x1] =	wrdreg $0xFFFFFFFF  }
0xad: {  	[dreg:$0x0] =	wrdreg $0x60  }
0xae: {  	[dreg:$0x2] =	wrdreg s2  }
0xaf: {  	[dreg:$0x3] =	wrdreg s24  }
0xb0: {  	[dreg:$0x4] =	wrdreg $0x61100  }
0xb1: {  	[dreg:$0x5] =	wrdreg $0x9  }
0xb2: {  	_ =	task.clear_ibuf [dreg:s7], $0x6FFFF;
	_ =	strace $0x90000046  }
0xb3: {  	s29 =	simm.s32 $0x9;
	_ =	strace $0x80000048  }
0xb4: {  	_ =	swait.ge [sflag:s29], $0x1  }
0xb5: {  	[sflag:s29] =	ssyncadd.s32 $0xFFFFFFFF  }
0xb6: {  	_ =	strace $0x90000048  }
0xb7: {  	_ =	sfence  }
0xb8: {  	s30 =	sld [smem:$0x0];
	_ =	sdelay $0x2  }
0xb9: {  	s31 =	sshll.u32 s1, $0xD;
	s1 =	sshrl.u32 s1, $0x2  }
0xba: {  	s3 =	sand.u32 $0x4000, s31;
	s1 =	sadd.s32 s1, s30  }
0xbb: {  	s0 =	sor.u32 s3, s0;
	s1 =	sshll.u32 s1, $0x11  }
0xbc: {  	s0 =	sor.u32 s1, s0  }
0xbd: {  	s0 =	sadd.s32 $0x8F2B, s0  }
0xbe: {  	[sflag:s0] =	ssyncadd.remote.s32 $0x1  }
0xbf: {  	_ =	sfence.sel $0xFFFF  }
0xc0: {  	[dreg:$0x0] =	wrdreg $0xFFFFFFFF;
	(pc) =	sbr.abs _section_cstart, $3  }
0xc1: {  	[dreg:$0x1] =	wrdreg $0xFFFFFFFF  }
0xc2: {  	_ =	task.clear_ibuf [dreg:s7], $0x2FFFF;
	_ =	strace $0x9FFFFFFF  }
0xc3: {  	(tm) =	ssettm $0x7FFFFFFF  }
tec
execute0_lowered:
.L_overlay_start_1:
0x0: {  	(tag) =	ssettag $0x1  }
0x1: {  	s1 =	srdreg.scid  }
0x2: {  	s1 =	sand.u32 $0x1, s1  }
0x3: {  	p0 =	seq.s32 s1, $0x1  }
.Ltmp0:
0x4: {  	s6 =	rddreg [dreg:$0x0];
	(pc) =	sbr.rel @p0 .LBB2_6-.Ltmp0, $4  }
0x5: {  	s2 =	rddreg [dreg:$0x1]  }
0x6: {  	s3 =	rddreg [dreg:$0x2];
	s4 =	simm.s32 $0x0  }
0x7: {  	[smem:$0x7FF] =	sst s4  }
0x8: {  	s0 =	rddreg [dreg:$0x3];
	_ =	strace $0x80000047;
	s1 =	stileid.u32  }
0x9: {  	v0 =	vlaneseq.u32;
	v2 =	vimm.s32 $0x36147250  }
0xa: {  	v1 =	vmul.u32 $0x5, v0;
	v0 =	vunpack.c.l.s4.s8 v2  }
0xb: {  	v6 =	vimm.s32 $0x61472503;
	v2 =	vimm.s32 $0x47250361  }
0xc: {  	v4 =	vunpack.c.l.s4.s8 v2;
	v2 =	vunpack.c.0.s8.s32 v0;
	v0 =	vimm.s32 $0x50361472  }
0xd: {  	v8 =	vimm.s32 $0x72503614;
	v7 =	vunpack.c.l.s4.s8 v6;
	v0 =	vunpack.c.l.s4.s8 v0  }
0xe: {  	v3 =	vadd.s32 $0x1, v1;
	v5 =	vadd.s32 $0x2, v1;
	v9 =	vadd.s32 $0x3, v1  }
0xf: {  	v7 =	vunpack.c.0.s8.s32 v7;
	v6 =	vunpack.c.0.s8.s32 v0;
	v0 =	vunpack.c.l.s4.s8 v8  }
0x10: {  	s5 =	smul.u32 $0x500, s1;
	v10 =	vadd.s32 $0x4, v1;
	v11 =	vadd.s32 s4, v1;
	v4 =	vunpack.c.0.s8.s32 v4  }
0x11: {  	v11 =	vand.u32 $0x7FF8, v11;
	v8 =	vunpack.c.0.s8.s32 v0;
	v0 =	vadd.s32 s4, v3  }
0x12: {  	s30 =	simm.s32 $0x1;
	s6 =	sadd.s32 s6, s5;
	v12 =	vadd.s32 s4, v5;
	v11 =	vor.u32 v2, v11;
	v0 =	vand.u32 $0x7FF8, v0  }
0x13: {  	[tilespmem:s4], [sflag:$0x1] =	stream.linear.gather [hbm4b:s6+s4], $0x2800, $0x38;
	v13 =	vadd.s32 s4, v9;
	v12 =	vand.u32 $0x7FF8, v12;
	v0 =	vor.u32 v4, v0;
	[tilespmem:$0x6120] =	vst v63  }
0x14: {  	_ =	swait.ge [sflag:s30], $0x2800;
	v14 =	vadd.s32 s4, v10;
	v13 =	vand.u32 $0x7FF8, v13;
	v12 =	vor.u32 v6, v12  }
0x15: {  	[sflag:s30] =	ssyncset.done $0x0;
	v14 =	vand.u32 $0x7FF8, v14;
	v13 =	vor.u32 v7, v13  }
0x16: {  	[sflag:s30] =	ssyncadd.s32 $0xFFFFD800;
	v14 =	vor.u32 v8, v14  }
0x17: {  	v11 =	vld.idx.msk [tilespmem:v11+s4+$0x0], $0xffff  }
0x18: {  	v15 =	vld.idx.msk [tilespmem:v0+s4+$0x0], $0xffff  }
0x19: {  	v0 =	vld.idx.msk [tilespmem:v12+s4+$0x0], $0xffff  }
0x1a: {  	v13 =	vld.idx.msk [tilespmem:v13+s4+$0x0], $0xffff  }
0x1b: {  	v12 =	vld.idx.msk [tilespmem:v14+s4+$0x0], $0xffff;
	_ =	sdelay $0x1  }
0x1c: {  	v14 =	vmax.f32 v11, v15  }
0x1d: {  	v14 =	vmax.f32 v14, v0  }
0x1e: {  	v14 =	vmax.f32 v14, v13  }
0x1f: {  	v14 =	vmax.f32 v14, v12  }
0x20: {  	v16 =	vsub.f32 v11, v14  }
0x21: {  	v17 =	vsub.f32 v15, v14  }
0x22: {  	v16 =	vmul.f32 $1.442695020e+00, v16  }
0x23: {  	v18 =	vsub.f32 v0, v14;
	v17 =	vmul.f32 $1.442695020e+00, v17  }
0x24: {  	(erf) = vpow2.f32 v16  }
0x25: {  	v18 =	vmul.f32 $1.442695020e+00, v18;
	v16 =	vsub.f32 v13, v14;
	(erf) = vpow2.f32 v17;
	_ =	sdelay $0x1  }
0x26: {  	v12 =	vsub.f32 v12, v14;
	v16 =	vmul.f32 $1.442695020e+00, v16;
	(erf) = vpow2.f32 v18;
	_ =	sdelay $0x1  }
0x27: {  	v17 =	vmul.f32 $1.442695020e+00, v12;
	(erf) = vpow2.f32 v16  }
0x28: {  	vm0 =	veq.f32 v13, v14;
	v12 =	vimm.s32 $0x4  }
0x29: {  	vm1 =	veq.f32 v0, v14;
	v13 =	vsel vm0, $0x3, v12;
	(erf) = vpow2.f32 v17  }
0x2a: {  	vm12 =	veq.f32 v15, v14;
	v13 =	vsel vm1, $0x2, v13  }
0x2b: {  	vm13 =	veq.f32 v11, v14;
	v13 =	vsel vm12, $0x1, v13;
	v15 =	vpop (erf)  }
0x2c: {  	vm2 =	vne.f32 v11, v14;
	v18 =	vsel vm13, $0x0, v13;
	v17 =	vpop (erf)  }
0x2d: {  	vm0 =	vmand vm2, vm12;
	vm3 =	veq.s32 v18, $0x2;
	v11 =	vadd.f32 v17, v15  }
0x2e: {  	v13 =	vmpcnt.ones.xlane vm13;
	vm14 =	veq.s32 v18, $0x4;
	v19 =	vmpcnt.ones.xlane vm3;
	v14 =	vpop (erf)  }
0x2f: {  	vm15 =	veq.s32 v18, $0x3;
	v17 =	vmpcnt.ones.xlane vm14;
	v14 =	vadd.f32 v11, v14  }
0x30: {  	v63 =	vmpcnt.ones.xlane vm0;
	v16 =	vimm.s32 $0x0;
	v20 =	vmpcnt.ones.xlane vm15;
	v21 =	vpop (erf)  }
0x31: {  	s8 =	simm.s32 $0x50;
	v15 =	vadd.s32 v16, v13;
	v11 =	vadd.s32 v16, v17;
	v17 =	vadd.f32 v14, v21  }
0x32: {  	v13 =	vadd.s32 v16, v20;
	v20 =	vadd.s32 s8, v1;
	v14 =	vadd.s32 v16, v19;
	v19 =	vpop (erf)  }
0x33: {  	s31 =	sshll.u32 s1, $0x4;
	s6 =	simm.s32 $0x2800;
	v20 =	vand.u32 $0x7FF8, v20;
	v19 =	vadd.f32 v17, v19;
	v17 =	vadd.s32 s8, v3  }
0x34: {  	s7 =	simm.s32 $0x3000;
	s11 =	simm.s32 $0xA0;
	s2 =	sadd.s32 s5, s2;
	v0 =	vmov s1;
	[tilespmem:s6+$0x0] =	vst v18;
	v18 =	vor.u32 v2, v20;
	v17 =	vand.u32 $0x7FF8, v17  }
0x35: {  	s9 =	simm.s32 $0x3000;
	s5 =	sadd.s32 s31, s3;
	s2 =	sadd.s32 $0x80800, s2;
	v16 =	vadd.s32 v16, v63;
	v17 =	vor.u32 v4, v17;
	(erf) = vrcp.f32 v19  }
.LBB2_2:
0x36: {  	s6 =	sadd.s32 $0x10, s6  }
0x37: {  	s7 =	sadd.s32 $0x10, s7;
	s12 =	smov.u32 s11;
	s10 =	sadd.s32 $0x50, s11  }
0x38: {  	p0 =	sne.s32 s11, $0x27B0;
	_ =	sdelay $0x3  }
0x39: {  	v19 =	vadd.s32 s8, v5  }
0x3a: {  	v20 =	vadd.s32 s8, v9;
	v19 =	vand.u32 $0x7FF8, v19  }
0x3b: {  	v21 =	vadd.s32 s8, v10;
	v20 =	vand.u32 $0x7FF8, v20;
	s8 =	smov.u32 s12;
	v19 =	vor.u32 v6, v19  }
0x3c: {  	v21 =	vand.u32 $0x7FF8, v21;
	v20 =	vor.u32 v7, v20;
	v22 =	vpop (erf)  }
0x3d: {  	v21 =	vor.u32 v8, v21;
	[tilespmem:s9+$0x0] =	vst v22;
	s9 =	smov.u32 s7  }
0x3e: {  	v18 =	vld.idx.msk [tilespmem:v18+s4+$0x0], $0xffff  }
0x3f: {  	v17 =	vld.idx.msk [tilespmem:v17+s4+$0x0], $0xffff  }
0x40: {  	v19 =	vld.idx.msk [tilespmem:v19+s4+$0x0], $0xffff  }
0x41: {  	v20 =	vld.idx.msk [tilespmem:v20+s4+$0x0], $0xffff  }
0x42: {  	v21 =	vld.idx.msk [tilespmem:v21+s4+$0x0], $0xffff;
	_ =	sdelay $0x2  }
0x43: {  	v22 =	vmax.f32 v18, v17  }
0x44: {  	v22 =	vmax.f32 v22, v19  }
0x45: {  	v22 =	vmax.f32 v22, v20  }
0x46: {  	v22 =	vmax.f32 v22, v21  }
0x47: {  	vm0 =	vne.f32 v18, v22;
	v23 =	vsub.f32 v18, v22;
	v24 =	vsub.f32 v20, v22  }
0x48: {  	vm1 =	veq.f32 v19, v22;
	v25 =	vsub.f32 v17, v22;
	v19 =	vsub.f32 v19, v22  }
0x49: {  	vm2 =	veq.f32 v20, v22;
	v20 =	vmul.f32 $1.442695020e+00, v23;
	v23 =	vmul.f32 $1.442695020e+00, v24  }
0x4a: {  	v24 =	vsel vm2, $0x3, v12;
	v25 =	vmul.f32 $1.442695020e+00, v25;
	v19 =	vmul.f32 $1.442695020e+00, v19  }
0x4b: {  	v24 =	vsel vm1, $0x2, v24;
	vm1 =	veq.f32 v17, v22;
	(erf) = vpow2.f32 v20  }
0x4c: {  	vm2 =	veq.f32 v18, v22;
	v17 =	vsel vm1, $0x1, v24;
	(erf) = vpow2.f32 v25  }
0x4d: {  	v18 =	vsub.f32 v21, v22;
	vm0 =	vmand vm0, vm1;
	v17 =	vsel vm2, $0x0, v17  }
0x4e: {  	v20 =	vmpcnt.ones.xlane vm2;
	vm1 =	veq.s32 v17, $0x4;
	[tilespmem:s6+$0x0] =	vst v17;
	(erf) = vpow2.f32 v19  }
0x4f: {  	vm2 =	veq.s32 v17, $0x2;
	vm3 =	veq.s32 v17, $0x3;
	v17 =	vmpcnt.ones.xlane vm1  }
0x50: {  	v18 =	vmul.f32 $1.442695020e+00, v18;
	v15 =	vadd.s32 v15, v20;
	(erf) = vpow2.f32 v23  }
0x51: {  	v20 =	vmpcnt.ones.xlane vm3;
	v19 =	vmpcnt.ones.xlane vm2;
	v11 =	vadd.s32 v11, v17  }
0x52: {  	v21 =	vmpcnt.ones.xlane vm0;
	(erf) = vpow2.f32 v18  }
0x53: {  	v13 =	vadd.s32 v13, v20;
	v14 =	vadd.s32 v14, v19  }
0x54: {  	v16 =	vadd.s32 v16, v21;
	v17 =	vpop (erf)  }
0x55: {  	v18 =	vpop (erf)  }
0x56: {  	v17 =	vadd.f32 v18, v17  }
0x57: {  	v18 =	vpop (erf)  }
0x58: {  	v17 =	vadd.f32 v17, v18  }
0x59: {  	v18 =	vpop (erf)  }
.Ltmp1:
0x5a: {  	v17 =	vadd.f32 v17, v18;
	(pc) =	sbr.rel @p0 .LBB2_2-.Ltmp1, $4  }
0x5b: {  	v19 =	vadd.s32 s8, v3;
	v18 =	vadd.s32 s8, v1;
	v20 =	vpop (erf)  }
0x5c: {  	v19 =	vand.u32 $0x7FF8, v19;
	v18 =	vand.u32 $0x7FF8, v18;
	v20 =	vadd.f32 v17, v20  }
0x5d: {  	v18 =	vor.u32 v2, v18;
	v17 =	vor.u32 v4, v19  }
0x5e: {  	s11 =	smov.u32 s10;
	(erf) = vrcp.f32 v20  }
0x5f: {  	_ =	sdelay $0x4  }
0x60: {  	v1 =	vadd.s32 s8, v5  }
0x61: {  	v2 =	vadd.s32 s8, v9;
	v1 =	vand.u32 $0x7FF8, v1  }
0x62: {  	v3 =	vadd.s32 s8, v10;
	v2 =	vand.u32 $0x7FF8, v2;
	v1 =	vor.u32 v6, v1  }
0x63: {  	v3 =	vand.u32 $0x7FF8, v3;
	v2 =	vor.u32 v7, v2;
	v4 =	vpop (erf)  }
0x64: {  	v3 =	vor.u32 v8, v3;
	[tilespmem:s9+$0x0] =	vst v4  }
0x65: {  	v4 =	vld.idx.msk [tilespmem:v18+s4+$0x0], $0xffff  }
0x66: {  	v5 =	vld.idx.msk [tilespmem:v17+s4+$0x0], $0xffff  }
0x67: {  	v1 =	vld.idx.msk [tilespmem:v1+s4+$0x0], $0xffff  }
0x68: {  	v2 =	vld.idx.msk [tilespmem:v2+s4+$0x0], $0xffff  }
0x69: {  	v3 =	vld.idx.msk [tilespmem:v3+s4+$0x0], $0xffff;
	_ =	sdelay $0x1  }
0x6a: {  	v6 =	vmax.f32 v4, v5  }
0x6b: {  	v6 =	vmax.f32 v6, v1  }
0x6c: {  	v6 =	vmax.f32 v6, v2  }
0x6d: {  	v6 =	vmax.f32 v6, v3  }
0x6e: {  	v7 =	vsub.f32 v4, v6  }
0x6f: {  	v8 =	vsub.f32 v5, v6  }
0x70: {  	v7 =	vmul.f32 $1.442695020e+00, v7  }
0x71: {  	v9 =	vsub.f32 v1, v6;
	v8 =	vmul.f32 $1.442695020e+00, v8  }
0x72: {  	(erf) = vpow2.f32 v7  }
0x73: {  	v9 =	vmul.f32 $1.442695020e+00, v9;
	v7 =	vsub.f32 v2, v6;
	(erf) = vpow2.f32 v8;
	_ =	sdelay $0x1  }
0x74: {  	v3 =	vsub.f32 v3, v6;
	v7 =	vmul.f32 $1.442695020e+00, v7;
	(erf) = vpow2.f32 v9;
	_ =	sdelay $0x1  }
0x75: {  	v3 =	vmul.f32 $1.442695020e+00, v3;
	(erf) = vpow2.f32 v7;
	_ =	sdelay $0x1  }
0x76: {  	(erf) = vpow2.f32 v3;
	_ =	sdelay $0x1  }
0x77: {  	v3 =	vpop (erf)  }
0x78: {  	v7 =	vpop (erf)  }
0x79: {  	v3 =	vadd.f32 v7, v3  }
0x7a: {  	v7 =	vpop (erf)  }
0x7b: {  	v3 =	vadd.f32 v3, v7  }
0x7c: {  	v7 =	vpop (erf)  }
0x7d: {  	v3 =	vadd.f32 v3, v7  }
0x7e: {  	v7 =	vpop (erf)  }
0x7f: {  	vm0 =	veq.f32 v2, v6;
	v2 =	vadd.f32 v3, v7  }
0x80: {  	vm1 =	veq.f32 v1, v6;
	v1 =	vsel vm0, $0x3, v12;
	vm0 =	veq.f32 v5, v6  }
0x81: {  	v1 =	vsel vm1, $0x2, v1;
	vm1 =	vne.f32 v4, v6;
	(erf) = vrcp.f32 v2  }
0x82: {  	vm2 =	veq.f32 v4, v6;
	v1 =	vsel vm0, $0x1, v1;
	vm0 =	vmand vm1, vm0  }
0x83: {  	v1 =	vsel vm2, $0x0, v1;
	v4 =	vmpcnt.ones.xlane vm0  }
0x84: {  	vm0 =	vmmov $0x1;
	vm3 =	veq.s32 v1, $0x3;
	v2 =	vmpcnt.ones.xlane vm2  }
0x85: {  	vm1 =	veq.s32 v1, $0x4;
	v6 =	vmpcnt.ones.xlane vm3;
	vm2 =	veq.s32 v1, $0x2  }
0x86: {  	v3 =	vmpcnt.ones.xlane vm1;
	v5 =	vmpcnt.ones.xlane vm2;
	v2 =	vadd.s32 v15, v2  }
0x87: {  	v4 =	vadd.s32 v16, v4;
	v2 =	vnsel vm0, $0x0, v2;
	vm0 =	vcmask $0x314  }
0x88: {  	v5 =	vadd.s32 v14, v5;
	v2 =	vsel vm0, v2, v4;
	vm0 =	vcmask $0x714  }
0x89: {  	s25 =	sadd.s32 $0x10, s6;
	v4 =	vadd.s32 v13, v6;
	v2 =	vsel vm0, v2, v5;
	vm0 =	vcmask $0xB14  }
0x8a: {  	s26 =	sadd.s32 $0x10, s7;
	[tilespmem:s25+$0x0] =	vst v1;
	v1 =	vadd.s32 v11, v3;
	v2 =	vsel vm0, v2, v4;
	vm0 =	vcmask $0xF14;
	v3 =	vpop (erf)  }
0x8b: {  	v1 =	vsel vm0, v2, v1;
	[tilespmem:s26+$0x0] =	vst v3  }
0x8c: {  	s28 =	simm.s32 $0x6000;
	s29 =	simm.s32 $0x1;
	[tilespmem:$0x6000] =	vst v1  }
0x8d: {  	[spmem:s5] =	stream.linear.scatter [tilespmem:s28], [sflag:$0x1], $0x10, $0x38;
	[tilespmem:$0x6120] =	vst v63  }
0x8e: {  	_ =	swait.ge [sflag:s29], $0x10  }
0x8f: {  	v3 =	vlaneseq.u32;
	[sflag:s29] =	ssyncset.done $0x0  }
0x90: {  	v2 =	vmul.u32 $0x10, v3;
	[sflag:s29] =	ssyncadd.s32 $0xFFFFFFF0  }
0x91: {  	s30 =	simm.s32 $0x6010;
	[bflag:$0x0] =	sbarrier.arrive $0xFFFF  }
0x92: {  	[tilespmem:s30], [sflag:$0x1] =	stream.linear.gather [spmem:s3], $0x100, $0x38;
	[tilespmem:$0x6120] =	vst v63  }
0x93: {  	_ =	swait.ge [sflag:s29], $0x100  }
0x94: {  	[sflag:s29] =	ssyncset.done $0x0  }
0x95: {  	[sflag:s29] =	ssyncadd.s32 $0xFFFFFF00  }
0x96: {  	v1 =	vld.idx.msk [tilespmem:v2+s30+$0x0], $0xffff;
	_ =	sdelay $0x4  }
0x97: {  	(xrf0) =	vadd.scan.msk.s32 $0xffff, v1;
	_ =	sdelay $0x3  }
0x98: {  	v4 =	vor.u32 $0x1, v2;
	_ =	sdelay $0x1  }
0x99: {  	v5, _, _ =	vpop (xrf0)  }
0x9a: {  	v1 =	vsub.s32 v5, v1  }
0x9b: {  	[tilespmem:$0x6000] =	vst v1  }
0x9c: {  	v4 =	vld.idx.msk [tilespmem:v4+s30+$0x0], $0xffff;
	_ =	sdelay $0x4  }
0x9d: {  	(xrf0) =	vadd.scan.msk.s32 $0xffff, v4;
	_ =	sdelay $0x3  }
0x9e: {  	v5 =	vor.u32 $0x2, v2;
	_ =	sdelay $0x1  }
0x9f: {  	v6, _, _ =	vpop (xrf0)  }
0xa0: {  	v4 =	vsub.s32 v6, v4  }
0xa1: {  	v1 =	vld.idx.msk [tilespmem:v0+s28+$0x0], $0xffff;
	[tilespmem:$0x6000] =	vst v4  }
0xa2: {  	v4 =	vld.idx.msk [tilespmem:v5+s30+$0x0], $0xffff;
	_ =	sdelay $0x4  }
0xa3: {  	(xrf0) =	vadd.scan.msk.s32 $0xffff, v4;
	_ =	sdelay $0x3  }
0xa4: {  	v5 =	vor.u32 $0x3, v2;
	_ =	sdelay $0x1  }
0xa5: {  	v6, _, _ =	vpop (xrf0)  }
0xa6: {  	v4 =	vsub.s32 v6, v4  }
0xa7: {  	v17 =	vld.idx.msk [tilespmem:v0+s28+$0x0], $0xffff;
	[tilespmem:$0x6000] =	vst v4  }
0xa8: {  	v4 =	vld.idx.msk [tilespmem:v5+s30+$0x0], $0xffff;
	_ =	sdelay $0x4  }
0xa9: {  	(xrf0) =	vadd.scan.msk.s32 $0xffff, v4;
	_ =	sdelay $0x3  }
0xaa: {  	v5 =	vor.u32 $0x4, v2;
	_ =	sdelay $0x1  }
0xab: {  	v6, _, _ =	vpop (xrf0)  }
0xac: {  	v4 =	vsub.s32 v6, v4  }
0xad: {  	v2 =	vld.idx.msk [tilespmem:v0+s28+$0x0], $0xffff;
	[tilespmem:$0x6000] =	vst v4  }
0xae: {  	v4 =	vld.idx.msk [tilespmem:v5+s30+$0x0], $0xffff;
	_ =	sdelay $0x4  }
0xaf: {  	(xrf0) =	vadd.scan.msk.s32 $0xffff, v4;
	_ =	sdelay $0x5  }
0xb0: {  	v6, _, _ =	vpop (xrf0)  }
0xb1: {  	v8 =	vimm.s32 $0x50361472;
	v4 =	vsub.s32 v6, v4  }
0xb2: {  	v7 =	vimm.s32 $0x47250361;
	s3 =	simm.s32 $0x2800;
	v25 =	vld.idx.msk [tilespmem:v0+s28+$0x0], $0xffff;
	[tilespmem:$0x6000] =	vst v4  }
0xb3: {  	v10 =	vimm.s32 $0x61472503;
	v9 =	vunpack.c.l.s4.s8 v8;
	v7 =	vunpack.c.l.s4.s8 v7;
	v15 =	vld [tilespmem:s3+$0x0]  }
0xb4: {  	v11 =	vimm.s32 $0x72503614;
	v3 =	vmul.u32 $0x5, v3;
	v5 =	vimm.s32 $0x36147250  }
0xb5: {  	v7 =	vunpack.c.0.s8.s32 v7;
	v14 =	vunpack.c.l.s4.s8 v11;
	v5 =	vunpack.c.l.s4.s8 v5  }
0xb6: {  	s31 =	simm.s32 $0x0;
	v13 =	vunpack.c.l.s4.s8 v10;
	v8 =	vadd.s32 $0x2, v3;
	v11 =	vadd.s32 $0x3, v3  }
0xb7: {  	v24 =	vadd.s32 s31, v11;
	v5 =	vunpack.c.0.s8.s32 v5;
	v6 =	vadd.s32 $0x1, v3  }
0xb8: {  	v4 =	vimm.s32 $0x0;
	vm2 =	veq.s32 v15, $0x0;
	vm4 =	veq.s32 v15, $0x1  }
0xb9: {  	vm3 =	veq.s32 v15, $0x2;
	vm1 =	veq.s32 v15, $0x3;
	v16 =	vsel vm4, $0x1, v4  }
0xba: {  	vm0 =	veq.s32 v15, $0x4;
	v19 =	vsel vm3, $0x1, v4;
	(xrf0) =	vadd.scan.msk.s32 $0xffff, v16;
	v16 =	vadd.s32 s31, v3  }
0xbb: {  	v15 =	vsel vm2, $0x1, v4;
	(xrf0) =	vadd.scan.msk.s32 $0xffff, v19;
	v16 =	vand.u32 $0x7FF8, v16;
	v19 =	vadd.s32 s31, v6  }
0xbc: {  	v22 =	vsel vm1, $0x1, v4;
	(xrf0) =	vadd.scan.msk.s32 $0xffff, v15;
	v20 =	vor.u32 v5, v16;
	v19 =	vand.u32 $0x7FF8, v19  }
0xbd: {  	v0 =	vld.idx.msk [tilespmem:v0+s28+$0x0], $0xffff;
	v16 =	vadd.s32 s31, v8;
	(xrf0) =	vadd.scan.msk.s32 $0xffff, v22;
	v22 =	vor.u32 v7, v19;
	v19 =	vand.u32 $0x7FF8, v24  }
0xbe: {  	v13 =	vunpack.c.0.s8.s32 v13;
	v24 =	vand.u32 $0x7FF8, v16  }
0xbf: {  	v10 =	vunpack.c.0.s8.s32 v9;
	v23 =	vmpcnt.ones.xlane vm4;
	v21 =	vsel vm0, $0x1, v4  }
0xc0: {  	v12 =	vadd.s32 $0x4, v3;
	v26 =	vmpcnt.ones.xlane vm0;
	(xrf0) =	vadd.scan.msk.s32 $0xffff, v21;
	v21 =	vor.u32 v13, v19;
	v19, _, _ =	vpop (xrf0)  }
0xc1: {  	v19 =	vadd.s32 v19, v17;
	v17 =	vadd.s32 v17, v23;
	v23 =	vor.u32 v10, v24;
	v24, _, _ =	vpop (xrf0)  }
0xc2: {  	v15 =	vmpcnt.ones.xlane vm1;
	v16 =	vadd.s32 v0, v26;
	v26 =	vadd.s32 v24, v2  }
0xc3: {  	v9 =	vunpack.c.0.s8.s32 v14;
	s5 =	simm.s32 $0x3000;
	v18 =	vadd.s32 s31, v12;
	v19 =	vadd.s32 $0xFFFFFFFF, v19  }
0xc4: {  	v14 =	vmpcnt.ones.xlane vm2;
	v15 =	vadd.s32 v25, v15;
	v27, _, _ =	vpop (xrf0);
	vm5 =	vlt.s32 v19, $0x199A;
	v19 =	vld [tilespmem:s5+$0x0]  }
0xc5: {  	v24 =	vmpcnt.ones.xlane vm3;
	v28 =	vadd.s32 v27, v1;
	v27 =	vadd.s32 $0xFFFFFFFF, v26;
	v26, _, _ =	vpop (xrf0)  }
0xc6: {  	s6 =	simm.s32 $0x50;
	s4 =	simm.s32 $0x3800;
	v28 =	vadd.s32 $0xFFFFFFFF, v28;
	vm4 =	vmand vm4, vm5;
	v25 =	vadd.s32 v26, v25;
	v26, _, _ =	vpop (xrf0)  }
.LBB2_4:
0xc7: {  	p0 =	sne.s32 s6, $0x27B0;
	vm5 =	vlt.s32 v28, $0x199A;
	vm6 =	vlt.s32 v27, $0x199A;
	v18 =	vand.u32 $0x7FF8, v18;
	s3 =	sadd.s32 $0x10, s3;
	s5 =	sadd.s32 $0x10, s5;
	v29 =	vmovc v15  }
0xc8: {  	s7 =	smov.u32 s6;
	s6 =	sadd.s32 $0x50, s6;
	vm2 =	vmand vm2, vm5;
	vm3 =	vmand vm3, vm6;
	v18 =	vor.u32 v9, v18  }
0xc9: {  	v25 =	vadd.s32 $0xFFFFFFFF, v25;
	v26 =	vadd.s32 v26, v0;
	v0 =	vmovc v16;
	v27 =	vnsel vm2, $0x0, v19  }
0xca: {  	vm2 =	vlt.s32 v25, $0x199A;
	v25 =	vadd.s32 $0xFFFFFFFF, v26;
	[tilespmem:v20+s4+$0x0] =	vst.idx.msk $0xffff, v27;
	v20 =	vnsel vm4, $0x0, v19  }
0xcb: {  	vm1 =	vmand vm1, vm2;
	vm2 =	vlt.s32 v25, $0x199A;
	[tilespmem:v22+s4+$0x0] =	vst.idx.msk $0xffff, v20;
	v20 =	vnsel vm3, $0x0, v19  }
0xcc: {  	v2 =	vadd.s32 v2, v24;
	vm0 =	vmand vm0, vm2;
	[tilespmem:v23+s4+$0x0] =	vst.idx.msk $0xffff, v20;
	v20 =	vnsel vm1, $0x0, v19  }
0xcd: {  	v1 =	vadd.s32 v1, v14;
	v14 =	vnsel vm0, $0x0, v19;
	[tilespmem:v21+s4+$0x0] =	vst.idx.msk $0xffff, v20  }
0xce: {  	[tilespmem:v18+s4+$0x0] =	vst.idx.msk $0xffff, v14  }
0xcf: {  	v19 =	vld [tilespmem:s3+$0x0];
	_ =	sdelay $0x2  }
0xd0: {  	v18 =	vadd.s32 s7, v12;
	_ =	sdelay $0x1  }
0xd1: {  	vm2 =	veq.s32 v19, $0x0;
	vm4 =	veq.s32 v19, $0x1;
	vm3 =	veq.s32 v19, $0x2  }
0xd2: {  	v14 =	vmpcnt.ones.xlane vm2;
	v20 =	vsel vm4, $0x1, v4;
	v21 =	vsel vm3, $0x1, v4  }
0xd3: {  	vm1 =	veq.s32 v19, $0x3;
	vm0 =	veq.s32 v19, $0x4;
	v23 =	vmpcnt.ones.xlane vm4;
	(xrf0) =	vadd.scan.msk.s32 $0xffff, v20  }
0xd4: {  	v22 =	vadd.s32 s7, v3;
	v24 =	vsel vm0, $0x1, v4;
	v20 =	vsel vm2, $0x1, v4;
	v19 =	vld [tilespmem:s5+$0x0];
	(xrf0) =	vadd.scan.msk.s32 $0xffff, v21  }
0xd5: {  	v25 =	vsel vm1, $0x1, v4;
	v21 =	vand.u32 $0x7FF8, v22;
	v22 =	vadd.s32 s7, v6;
	(xrf0) =	vadd.scan.msk.s32 $0xffff, v20  }
0xd6: {  	v26 =	vmpcnt.ones.xlane vm1;
	v20 =	vor.u32 v5, v21;
	v21 =	vadd.s32 s7, v8;
	(xrf0) =	vadd.scan.msk.s32 $0xffff, v25  }
0xd7: {  	v27 =	vmpcnt.ones.xlane vm0;
	v22 =	vand.u32 $0x7FF8, v22;
	v25 =	vadd.s32 s7, v11;
	(xrf0) =	vadd.scan.msk.s32 $0xffff, v24  }
0xd8: {  	v15 =	vadd.s32 v15, v26;
	v22 =	vor.u32 v7, v22;
	v28 =	vand.u32 $0x7FF8, v25  }
.Ltmp2:
0xd9: {  	v16 =	vadd.s32 v16, v27;
	v26 =	vand.u32 $0x7FF8, v21;
	v21 =	vor.u32 v13, v28;
	v24, _, _ =	vpop (xrf0);
	(pc) =	sbr.rel @p0 .LBB2_4-.Ltmp2, $4  }
0xda: {  	v24 =	vadd.s32 v24, v17;
	v17 =	vadd.s32 v17, v23;
	v23 =	vor.u32 v10, v26;
	v25, _, _ =	vpop (xrf0)  }
0xdb: {  	v31 =	vadd.s32 $0xFFFFFFFF, v24;
	v30 =	vadd.s32 v25, v2;
	v24 =	vmpcnt.ones.xlane vm3;
	v27, _, _ =	vpop (xrf0)  }
0xdc: {  	v28 =	vadd.s32 v27, v1;
	vm5 =	vlt.s32 v31, $0x199A;
	v27 =	vadd.s32 $0xFFFFFFFF, v30;
	v25, _, _ =	vpop (xrf0)  }
0xdd: {  	v28 =	vadd.s32 $0xFFFFFFFF, v28;
	vm4 =	vmand vm4, vm5;
	v25 =	vadd.s32 v25, v29;
	v26, _, _ =	vpop (xrf0)  }
0xde: {  	_ = 	snop  }
0xdf: {  	vm5 =	vlt.s32 v28, $0x199A;
	vm6 =	vlt.s32 v27, $0x199A;
	v1 =	vand.u32 $0x7FF8, v18  }
0xe0: {  	v3 =	vadd.s32 $0xFFFFFFFF, v25;
	v0 =	vadd.s32 v26, v0;
	vm2 =	vmand vm2, vm5  }
0xe1: {  	v60 =	vnsel vm4, $0x0, v19;
	v1 =	vor.u32 v9, v1;
	v2 =	vnsel vm2, $0x0, v19  }
0xe2: {  	vm3 =	vmand vm3, vm6;
	vm14 =	vlt.s32 v3, $0x199A;
	v0 =	vadd.s32 $0xFFFFFFFF, v0;
	[tilespmem:v20+s4+$0x0] =	vst.idx.msk $0xffff, v2  }
0xe3: {  	v61 =	vnsel vm3, $0x0, v19;
	vm1 =	vmand vm1, vm14;
	vm15 =	vlt.s32 v0, $0x199A;
	[tilespmem:v22+s4+$0x0] =	vst.idx.msk $0xffff, v60  }
0xe4: {  	v62 =	vnsel vm1, $0x0, v19;
	vm0 =	vmand vm0, vm15;
	[tilespmem:v23+s4+$0x0] =	vst.idx.msk $0xffff, v61  }
0xe5: {  	v63 =	vnsel vm0, $0x0, v19;
	[tilespmem:v21+s4+$0x0] =	vst.idx.msk $0xffff, v62  }
0xe6: {  	s3 =	simm.s32 $0x0;
	s30 =	simm.s32 $0x3800;
	s31 =	simm.s32 $0x1;
	[tilespmem:v1+s4+$0x0] =	vst.idx.msk $0xffff, v63  }
0xe7: {  	[hbm4b:s2+s3] =	stream.linear.scatter [tilespmem:s30], [sflag:$0x1], $0x2800, $0x38;
	[tilespmem:$0x6120] =	vst v63  }
0xe8: {  	_ =	swait.ge [sflag:s31], $0x2800  }
0xe9: {  	[sflag:s31] =	ssyncset.done $0x0  }
0xea: {  	[sflag:s31] =	ssyncadd.s32 $0xFFFFD800  }
.LBB2_6:
0xeb: {  	_ =	sfence.sel $0x180000  }
0xec: {  	[bflag:$0x0] =	sbarrier.arrive $0xFFFF  }
0xed: {  	p0 =	sne.s32 s1, $0x0;
	_ =	strace $0x90000047  }
0xee: {  	s0 =	sadd.s32 @!p0 $0x100000, s0;
	[bflag:$0x2] =	sbarrier.arrive $0xFFFF  }
0xef: {  	[sflag:s0] =	ssyncadd.tile.s32 @!p0 $0x1;
	_ =	shalt  }
.Lfunc_end2:
_tile_overlayer_lowered:
.L_overlay_start_2:
0xf0: {  	(tag) =	ssettag $0x2  }
0xf1: {  	s0 =	rddreg [dreg:$0x0];
	s2 =	stileid.u32  }
0xf2: {  	s1 =	rddreg [dreg:$0x1];
	p0 =	sne.s32 s2, $0x0  }
0xf3: {  	s3 =	rddreg [dreg:$0x2];
	[bflag:$0x3] =	sbarrier.arrive $0xFFFF;
	s2 =	simm.s32 @!p0 $0x1C01  }
0xf4: {  	[timem:s3], [sflag:s2] =	dma.local @!p0 [hbm:s0], s1  }
0xf5: {  	s0 =	simm.s32 @!p0 $0x1  }
0xf6: {  	_ =	swait.ge @!p0 [sflag:s0], s1  }
0xf7: {  	s1 =	ssub.s32 @!p0 $0x0, s1;
	[sflag:s0] =	ssyncset.done @!p0 $0x0  }
0xf8: {  	[sflag:s0] =	ssyncadd.s32 @!p0 s1  }
0xf9: {  	[bflag:$0x3] =	sbarrier.arrive $0xFFFF  }
0xfa: {  	_ =	shalt  }

</sc_bundles>
